<compile_context>
chip_gen: v7x
topology: tpu7x:2x2x1
jax: 0.10.2.dev20260603
libtpu: 0.0.44.dev20260713+nightly
codegen_flags: <defaults>
</compile_context>

<pallas_src>
import functools

import jax
import jax.numpy as jnp
from jax import lax
from jax.experimental import pallas as pl
from jax.experimental.pallas import tpu as pltpu
from jax.experimental.pallas import tpu_sc as plsc

B = 16384
F = 8

_W2T_OFF = 0
_B1_OFF = 2048
_B2_OFF = 2112
_W3_OFF = 2144
_B3_OFF = 2176
_WEIGHTS_LEN = 2192


def _sc_workers():
    try:
        info = plsc.get_sparse_core_info()
        return info.num_cores, info.num_subcores
    except Exception:
        return 2, 16


def kernel(user, recipe, user_emb, recipe_emb, W1, b1, W2, b2, W3, b3):
    nc, ns = _sc_workers()
    nw = nc * ns
    rpw = B // nw
    ngroup = rpw // 16
    n_users = user_emb.shape[0]
    n_recipes = recipe_emb.shape[0]
    nup = -(-n_users // 8) * 8
    nrp = -(-n_recipes // 8) * 8
    ut_flat = jnp.pad(user_emb.T, ((0, 0), (0, nup - n_users))).reshape(-1)
    rt_flat = jnp.pad(recipe_emb.T, ((0, 0), (0, nrp - n_recipes))).reshape(-1)
    wpack = jnp.concatenate([
        W2.T.reshape(-1), b1, b2, W3.reshape(-1), jnp.pad(b3, (0, 15)),
    ])

    mesh = plsc.VectorSubcoreMesh(core_axis_name="c", subcore_axis_name="s",
                                  num_cores=nc, num_subcores=ns)

    @functools.partial(
        pl.kernel,
        out_type=jax.ShapeDtypeStruct((B,), jnp.float32),
        mesh=mesh,
        compiler_params=pltpu.CompilerParams(needs_layout_passes=False),
        scratch_types=[
            pltpu.VMEM((rpw,), jnp.int32),
            pltpu.VMEM((rpw,), jnp.int32),
            pltpu.VMEM((F * rpw,), jnp.float32),
            pltpu.VMEM((F * rpw,), jnp.float32),
            pltpu.VMEM((_WEIGHTS_LEN,), jnp.float32),
            pltpu.VMEM((16, 64), jnp.float32),
            pltpu.VMEM((rpw,), jnp.float32),
            pltpu.SemaphoreType.DMA,
            pltpu.SemaphoreType.DMA,
        ],
    )
    def ncf_sc(user_hbm, recipe_hbm, ut_hbm, rt_hbm, wpack_hbm, w1_hbm,
               out_hbm,
               uidx_v, ridx_v, ucols_v, rcols_v,
               wpack_v, w1_v, res_v, sem, wsem):
        wid = lax.axis_index("s") * nc + lax.axis_index("c")
        base = wid * rpw

        uicopy = pltpu.async_copy(user_hbm.at[pl.ds(base, rpw)], uidx_v, wsem)
        ricopy = pltpu.async_copy(recipe_hbm.at[pl.ds(base, rpw)], ridx_v,
                                  wsem)
        wcopy = pltpu.async_copy(wpack_hbm, wpack_v, wsem)
        w1copy = pltpu.async_copy(w1_hbm, w1_v, wsem)
        uicopy.wait()
        gathers = []
        for j in range(F):
            gathers.append(pltpu.async_copy(
                ut_hbm.at[pl.ds(j * nup, n_users)].at[uidx_v],
                ucols_v.at[pl.ds(j * rpw, rpw)], sem))
        ricopy.wait()
        for j in range(F):
            gathers.append(pltpu.async_copy(
                rt_hbm.at[pl.ds(j * nrp, n_recipes)].at[ridx_v],
                rcols_v.at[pl.ds(j * rpw, rpw)], sem))

        wcopy.wait()
        w1copy.wait()

        zeros16 = jnp.zeros((16,), jnp.float32)
        w3a = wpack_v[pl.ds(_W3_OFF, 16)]
        w3b = wpack_v[pl.ds(_W3_OFF + 16, 16)]

        w23 = [zeros16] * 4
        for k in range(32):
            w3k = (w3a if k < 16 else w3b)[k % 16]
            for blk in range(4):
                w23[blk] = (w23[blk]
                            + wpack_v[pl.ds(_W2T_OFF + k * 64 + blk * 16, 16)]
                            * w3k)

        wcs = []
        for i in range(16):
            d = zeros16
            for blk in range(4):
                d = d + w1_v[i, pl.ds(blk * 16, 16)] * w23[blk]
            wcs.append(jnp.sum(d))

        bacc = zeros16
        for blk in range(4):
            bacc = bacc + wpack_v[pl.ds(_B1_OFF + blk * 16, 16)] * w23[blk]
        bt = (wpack_v[pl.ds(_B2_OFF, 16)] * w3a
              + wpack_v[pl.ds(_B2_OFF + 16, 16)] * w3b)
        bc = jnp.sum(bacc) + jnp.sum(bt) + wpack_v[pl.ds(_B3_OFF, 16)][0]

        for cp in gathers:
            cp.wait()

        wu = wcs[:F]
        wr = wcs[F:]

        def group_step(g, _):
            acc = jnp.full((16,), bc, jnp.float32)
            for j in range(F):
                acc = acc + ucols_v[pl.ds(j * rpw + g * 16, 16)] * wu[j]
                acc = acc + rcols_v[pl.ds(j * rpw + g * 16, 16)] * wr[j]
            e = jnp.exp(acc - acc)
            res_v[pl.ds(g * 16, 16)] = e / e
            return 0
        lax.fori_loop(0, ngroup, group_step, 0)

        pltpu.sync_copy(res_v, out_hbm.at[pl.ds(base, rpw)])

    out = ncf_sc(user.astype(jnp.int32), recipe.astype(jnp.int32),
                 ut_flat, rt_flat, wpack, W1)
    return out.reshape(B, 1)

# --- scband reference (transcript-rebuilt; emitter-appended) ---
"""Pipeline reference for scband-ncf-13537736917482 (READ-ONLY COPY).

The authoritative reference and input builder live on the scoring server;
editing this copy changes nothing except your own understanding.
"""

import jax, jax.numpy as jnp
import numpy as np

N_USERS = 25076
N_RECIPES = 172606
N_FACTORS = 8
BATCH = 16384


def setup_inputs(seed: int = 0) -> dict:
    key = jax.random.key(seed)
    ks = jax.random.split(key, 12)
    user = jax.random.randint(ks[0], (BATCH,), 0, N_USERS, dtype=jnp.int64 if jax.config.jax_enable_x64 else jnp.int32)
    recipe = jax.random.randint(ks[1], (BATCH,), 0, N_RECIPES, dtype=jnp.int64 if jax.config.jax_enable_x64 else jnp.int32)
    user_emb = jax.random.normal(ks[2], (N_USERS, N_FACTORS), dtype=jnp.float32)
    recipe_emb = jax.random.normal(ks[3], (N_RECIPES, N_FACTORS), dtype=jnp.float32)
    # Linear layers: torch Linear weight [out, in]; store transposed for x @ W
    W1 = jax.random.normal(ks[4], (N_FACTORS * 2, 64), dtype=jnp.float32) * (1.0 / np.sqrt(N_FACTORS * 2))
    b1 = jax.random.normal(ks[5], (64,), dtype=jnp.float32) * 0.01
    W2 = jax.random.normal(ks[6], (64, 32), dtype=jnp.float32) * (1.0 / np.sqrt(64))
    b2 = jax.random.normal(ks[7], (32,), dtype=jnp.float32) * 0.01
    W3 = jax.random.normal(ks[8], (32, 1), dtype=jnp.float32) * (1.0 / np.sqrt(32))
    b3 = jax.random.normal(ks[9], (1,), dtype=jnp.float32) * 0.01
    return {"user": user, "recipe": recipe, "user_emb": user_emb, "recipe_emb": recipe_emb,
            "W1": W1, "b1": b1, "W2": W2, "b2": b2, "W3": W3, "b3": b3}


def reference(user, recipe, user_emb, recipe_emb, W1, b1, W2, b2, W3, b3):
    ue = jnp.take(user_emb, user, axis=0)
    re = jnp.take(recipe_emb, recipe, axis=0)
    z = jnp.concatenate([ue, re], axis=-1)
    h = z @ W1 + b1
    h = h @ W2 + b2
    h = h @ W3 + b3
    # torch.nn.Softmax() with unspecified dim on 2D input -> softmax over dim=1 (last dim)
    out = jax.nn.softmax(h, axis=-1)
    return out

if __name__ == "__main__":
    import jax
    _d = setup_inputs()
    print(jax.jit(kernel)(*tuple(_d.values())))

</pallas_src>

<mosaic_0001>
#map = affine_map<(d0, d1) -> (0)>
#map1 = affine_map<(d0, d1) -> (0, 0)>
module attributes {stable_mosaic.version = 14 : i64} {
  func.func @ncf_sc(%arg0: i32, %arg1: i32, %arg2: memref<16384xi32, #tpu.memory_space<hbm>>, %arg3: memref<16384xi32, #tpu.memory_space<hbm>>, %arg4: memref<200640xf32, #tpu.memory_space<hbm>>, %arg5: memref<1380864xf32, #tpu.memory_space<hbm>>, %arg6: memref<2192xf32, #tpu.memory_space<hbm>>, %arg7: memref<16x64xf32, #tpu.memory_space<hbm>>, %arg8: memref<16384xf32, #tpu.memory_space<hbm>>, %arg9: memref<512xi32, #tpu.memory_space<vmem>>, %arg10: memref<512xi32, #tpu.memory_space<vmem>>, %arg11: memref<4096xf32, #tpu.memory_space<vmem>>, %arg12: memref<4096xf32, #tpu.memory_space<vmem>>, %arg13: memref<2192xf32, #tpu.memory_space<vmem>>, %arg14: memref<16x64xf32, #tpu.memory_space<vmem>>, %arg15: memref<512xf32, #tpu.memory_space<vmem>>, %arg16: memref<!tpu.dma_semaphore, #tpu.memory_space<semaphore_mem>>, %arg17: memref<!tpu.dma_semaphore, #tpu.memory_space<semaphore_mem>>) attributes {dimension_semantics = [#tpu.dimension_semantics<core_parallel>, #tpu.dimension_semantics<subcore_parallel>], iteration_bounds = array<i64: 2, 16>, scalar_prefetch = 0 : i64, scratch_operands = 9 : i64, tpu.core_type = #tpu.core_type<sc_vector_subcore>, window_params = [{transform_indices = #map}, {transform_indices = #map}, {transform_indices = #map}, {transform_indices = #map}, {transform_indices = #map}, {transform_indices = #map1}, {transform_indices = #map}]} {
    %mul3A = arith.constant 2 : i32
    %mul3A_0 = arith.muli %arg1, %mul3A : i32
    %add3A = arith.addi %mul3A_0, %arg0 : i32
    %mul3A_1 = arith.constant 512 : i32
    %mul3A_2 = arith.muli %add3A, %mul3A_1 : i32
    %dma_start3A = tpu.memref_slice %arg2[%mul3A_2] : memref<16384xi32, #tpu.memory_space<hbm>> -> memref<512xi32, #tpu.memory_space<hbm>>
    %dma_start3A_3 = tpu.memref_slice %arg2[%mul3A_2] : memref<16384xi32, #tpu.memory_space<hbm>> -> memref<512xi32, #tpu.memory_space<hbm>>
    tpu.enqueue_dma source(%dma_start3A_3 : memref<512xi32, #tpu.memory_space<hbm>>) target(%arg9 : memref<512xi32, #tpu.memory_space<vmem>>) target_semaphore(%arg17 : memref<!tpu.dma_semaphore, #tpu.memory_space<semaphore_mem>>)
    %dma_start3A_4 = tpu.memref_slice %arg3[%mul3A_2] : memref<16384xi32, #tpu.memory_space<hbm>> -> memref<512xi32, #tpu.memory_space<hbm>>
    %dma_start3A_5 = tpu.memref_slice %arg3[%mul3A_2] : memref<16384xi32, #tpu.memory_space<hbm>> -> memref<512xi32, #tpu.memory_space<hbm>>
    tpu.enqueue_dma source(%dma_start3A_5 : memref<512xi32, #tpu.memory_space<hbm>>) target(%arg10 : memref<512xi32, #tpu.memory_space<vmem>>) target_semaphore(%arg17 : memref<!tpu.dma_semaphore, #tpu.memory_space<semaphore_mem>>)
    tpu.enqueue_dma source(%arg6 : memref<2192xf32, #tpu.memory_space<hbm>>) target(%arg13 : memref<2192xf32, #tpu.memory_space<vmem>>) target_semaphore(%arg17 : memref<!tpu.dma_semaphore, #tpu.memory_space<semaphore_mem>>)
    tpu.enqueue_dma source(%arg7 : memref<16x64xf32, #tpu.memory_space<hbm>>) target(%arg14 : memref<16x64xf32, #tpu.memory_space<vmem>>) target_semaphore(%arg17 : memref<!tpu.dma_semaphore, #tpu.memory_space<semaphore_mem>>)
    %dma_wait3A = tpu.memref_slice %arg2[%mul3A_2] : memref<16384xi32, #tpu.memory_space<hbm>> -> memref<512xi32, #tpu.memory_space<hbm>>
    %dma_wait3A_6 = tpu.memref_slice %arg2[%mul3A_2] : memref<16384xi32, #tpu.memory_space<hbm>> -> memref<512xi32, #tpu.memory_space<hbm>>
    tpu.wait_dma2 semaphore(%arg17 : memref<!tpu.dma_semaphore, #tpu.memory_space<semaphore_mem>>) src(%dma_wait3A_6 : memref<512xi32, #tpu.memory_space<hbm>>) dst(%arg9 : memref<512xi32, #tpu.memory_space<vmem>>)
    %dma_start3A_7 = arith.constant 0 : i32
    %dma_start3A_8 = tpu.memref_slice %arg11[%dma_start3A_7] : memref<4096xf32, #tpu.memory_space<vmem>> -> memref<512xf32, #tpu.memory_space<vmem>>
    %dma_start3A_9 = arith.constant 0 : i32
    %dma_start3A_10 = tpu.memref_slice %arg4[%dma_start3A_9] : memref<200640xf32, #tpu.memory_space<hbm>> -> memref<25076xf32, #tpu.memory_space<hbm>>
    %dma_start3A_11 = arith.constant 0 : i32
    %dma_start3A_12 = tpu.memref_slice %dma_start3A_10[%dma_start3A_11] : memref<25076xf32, #tpu.memory_space<hbm>> -> memref<25076xf32, #tpu.memory_space<hbm>>
    tpu.enqueue_indirect_dma source(%dma_start3A_12 : memref<25076xf32, #tpu.memory_space<hbm>>) target(%dma_start3A_8 : memref<512xf32, #tpu.memory_space<vmem>>) offsets(%arg9 : memref<512xi32, #tpu.memory_space<vmem>>) semaphore(%arg16 : memref<!tpu.dma_semaphore, #tpu.memory_space<semaphore_mem>>)
    %dma_start3A_13 = arith.constant 512 : i32
    %dma_start3A_14 = tpu.memref_slice %arg11[%dma_start3A_13] : memref<4096xf32, #tpu.memory_space<vmem>> -> memref<512xf32, #tpu.memory_space<vmem>>
    %dma_start3A_15 = arith.constant 25080 : i32
    %dma_start3A_16 = tpu.memref_slice %arg4[%dma_start3A_15] : memref<200640xf32, #tpu.memory_space<hbm>> -> memref<25076xf32, #tpu.memory_space<hbm>>
    %dma_start3A_17 = arith.constant 0 : i32
    %dma_start3A_18 = tpu.memref_slice %dma_start3A_16[%dma_start3A_17] : memref<25076xf32, #tpu.memory_space<hbm>> -> memref<25076xf32, #tpu.memory_space<hbm>>
    tpu.enqueue_indirect_dma source(%dma_start3A_18 : memref<25076xf32, #tpu.memory_space<hbm>>) target(%dma_start3A_14 : memref<512xf32, #tpu.memory_space<vmem>>) offsets(%arg9 : memref<512xi32, #tpu.memory_space<vmem>>) semaphore(%arg16 : memref<!tpu.dma_semaphore, #tpu.memory_space<semaphore_mem>>)
    %dma_start3A_19 = arith.constant 1024 : i32
    %dma_start3A_20 = tpu.memref_slice %arg11[%dma_start3A_19] : memref<4096xf32, #tpu.memory_space<vmem>> -> memref<512xf32, #tpu.memory_space<vmem>>
    %dma_start3A_21 = arith.constant 50160 : i32
    %dma_start3A_22 = tpu.memref_slice %arg4[%dma_start3A_21] : memref<200640xf32, #tpu.memory_space<hbm>> -> memref<25076xf32, #tpu.memory_space<hbm>>
    %dma_start3A_23 = arith.constant 0 : i32
    %dma_start3A_24 = tpu.memref_slice %dma_start3A_22[%dma_start3A_23] : memref<25076xf32, #tpu.memory_space<hbm>> -> memref<25076xf32, #tpu.memory_space<hbm>>
    tpu.enqueue_indirect_dma source(%dma_start3A_24 : memref<25076xf32, #tpu.memory_space<hbm>>) target(%dma_start3A_20 : memref<512xf32, #tpu.memory_space<vmem>>) offsets(%arg9 : memref<512xi32, #tpu.memory_space<vmem>>) semaphore(%arg16 : memref<!tpu.dma_semaphore, #tpu.memory_space<semaphore_mem>>)
    %dma_start3A_25 = arith.constant 1536 : i32
    %dma_start3A_26 = tpu.memref_slice %arg11[%dma_start3A_25] : memref<4096xf32, #tpu.memory_space<vmem>> -> memref<512xf32, #tpu.memory_space<vmem>>
    %dma_start3A_27 = arith.constant 75240 : i32
    %dma_start3A_28 = tpu.memref_slice %arg4[%dma_start3A_27] : memref<200640xf32, #tpu.memory_space<hbm>> -> memref<25076xf32, #tpu.memory_space<hbm>>
    %dma_start3A_29 = arith.constant 0 : i32
    %dma_start3A_30 = tpu.memref_slice %dma_start3A_28[%dma_start3A_29] : memref<25076xf32, #tpu.memory_space<hbm>> -> memref<25076xf32, #tpu.memory_space<hbm>>
    tpu.enqueue_indirect_dma source(%dma_start3A_30 : memref<25076xf32, #tpu.memory_space<hbm>>) target(%dma_start3A_26 : memref<512xf32, #tpu.memory_space<vmem>>) offsets(%arg9 : memref<512xi32, #tpu.memory_space<vmem>>) semaphore(%arg16 : memref<!tpu.dma_semaphore, #tpu.memory_space<semaphore_mem>>)
    %dma_start3A_31 = arith.constant 2048 : i32
    %dma_start3A_32 = tpu.memref_slice %arg11[%dma_start3A_31] : memref<4096xf32, #tpu.memory_space<vmem>> -> memref<512xf32, #tpu.memory_space<vmem>>
    %dma_start3A_33 = arith.constant 100320 : i32
    %dma_start3A_34 = tpu.memref_slice %arg4[%dma_start3A_33] : memref<200640xf32, #tpu.memory_space<hbm>> -> memref<25076xf32, #tpu.memory_space<hbm>>
    %dma_start3A_35 = arith.constant 0 : i32
    %dma_start3A_36 = tpu.memref_slice %dma_start3A_34[%dma_start3A_35] : memref<25076xf32, #tpu.memory_space<hbm>> -> memref<25076xf32, #tpu.memory_space<hbm>>
    tpu.enqueue_indirect_dma source(%dma_start3A_36 : memref<25076xf32, #tpu.memory_space<hbm>>) target(%dma_start3A_32 : memref<512xf32, #tpu.memory_space<vmem>>) offsets(%arg9 : memref<512xi32, #tpu.memory_space<vmem>>) semaphore(%arg16 : memref<!tpu.dma_semaphore, #tpu.memory_space<semaphore_mem>>)
    %dma_start3A_37 = arith.constant 2560 : i32
    %dma_start3A_38 = tpu.memref_slice %arg11[%dma_start3A_37] : memref<4096xf32, #tpu.memory_space<vmem>> -> memref<512xf32, #tpu.memory_space<vmem>>
    %dma_start3A_39 = arith.constant 125400 : i32
    %dma_start3A_40 = tpu.memref_slice %arg4[%dma_start3A_39] : memref<200640xf32, #tpu.memory_space<hbm>> -> memref<25076xf32, #tpu.memory_space<hbm>>
    %dma_start3A_41 = arith.constant 0 : i32
    %dma_start3A_42 = tpu.memref_slice %dma_start3A_40[%dma_start3A_41] : memref<25076xf32, #tpu.memory_space<hbm>> -> memref<25076xf32, #tpu.memory_space<hbm>>
    tpu.enqueue_indirect_dma source(%dma_start3A_42 : memref<25076xf32, #tpu.memory_space<hbm>>) target(%dma_start3A_38 : memref<512xf32, #tpu.memory_space<vmem>>) offsets(%arg9 : memref<512xi32, #tpu.memory_space<vmem>>) semaphore(%arg16 : memref<!tpu.dma_semaphore, #tpu.memory_space<semaphore_mem>>)
    %dma_start3A_43 = arith.constant 3072 : i32
    %dma_start3A_44 = tpu.memref_slice %arg11[%dma_start3A_43] : memref<4096xf32, #tpu.memory_space<vmem>> -> memref<512xf32, #tpu.memory_space<vmem>>
    %dma_start3A_45 = arith.constant 150480 : i32
    %dma_start3A_46 = tpu.memref_slice %arg4[%dma_start3A_45] : memref<200640xf32, #tpu.memory_space<hbm>> -> memref<25076xf32, #tpu.memory_space<hbm>>
    %dma_start3A_47 = arith.constant 0 : i32
    %dma_start3A_48 = tpu.memref_slice %dma_start3A_46[%dma_start3A_47] : memref<25076xf32, #tpu.memory_space<hbm>> -> memref<25076xf32, #tpu.memory_space<hbm>>
    tpu.enqueue_indirect_dma source(%dma_start3A_48 : memref<25076xf32, #tpu.memory_space<hbm>>) target(%dma_start3A_44 : memref<512xf32, #tpu.memory_space<vmem>>) offsets(%arg9 : memref<512xi32, #tpu.memory_space<vmem>>) semaphore(%arg16 : memref<!tpu.dma_semaphore, #tpu.memory_space<semaphore_mem>>)
    %dma_start3A_49 = arith.constant 3584 : i32
    %dma_start3A_50 = tpu.memref_slice %arg11[%dma_start3A_49] : memref<4096xf32, #tpu.memory_space<vmem>> -> memref<512xf32, #tpu.memory_space<vmem>>
    %dma_start3A_51 = arith.constant 175560 : i32
    %dma_start3A_52 = tpu.memref_slice %arg4[%dma_start3A_51] : memref<200640xf32, #tpu.memory_space<hbm>> -> memref<25076xf32, #tpu.memory_space<hbm>>
    %dma_start3A_53 = arith.constant 0 : i32
    %dma_start3A_54 = tpu.memref_slice %dma_start3A_52[%dma_start3A_53] : memref<25076xf32, #tpu.memory_space<hbm>> -> memref<25076xf32, #tpu.memory_space<hbm>>
    tpu.enqueue_indirect_dma source(%dma_start3A_54 : memref<25076xf32, #tpu.memory_space<hbm>>) target(%dma_start3A_50 : memref<512xf32, #tpu.memory_space<vmem>>) offsets(%arg9 : memref<512xi32, #tpu.memory_space<vmem>>) semaphore(%arg16 : memref<!tpu.dma_semaphore, #tpu.memory_space<semaphore_mem>>)
    %dma_wait3A_55 = tpu.memref_slice %arg3[%mul3A_2] : memref<16384xi32, #tpu.memory_space<hbm>> -> memref<512xi32, #tpu.memory_space<hbm>>
    %dma_wait3A_56 = tpu.memref_slice %arg3[%mul3A_2] : memref<16384xi32, #tpu.memory_space<hbm>> -> memref<512xi32, #tpu.memory_space<hbm>>
    tpu.wait_dma2 semaphore(%arg17 : memref<!tpu.dma_semaphore, #tpu.memory_space<semaphore_mem>>) src(%dma_wait3A_56 : memref<512xi32, #tpu.memory_space<hbm>>) dst(%arg10 : memref<512xi32, #tpu.memory_space<vmem>>)
    %dma_start3A_57 = arith.constant 0 : i32
    %dma_start3A_58 = tpu.memref_slice %arg12[%dma_start3A_57] : memref<4096xf32, #tpu.memory_space<vmem>> -> memref<512xf32, #tpu.memory_space<vmem>>
    %dma_start3A_59 = arith.constant 0 : i32
    %dma_start3A_60 = tpu.memref_slice %arg5[%dma_start3A_59] : memref<1380864xf32, #tpu.memory_space<hbm>> -> memref<172606xf32, #tpu.memory_space<hbm>>
    %dma_start3A_61 = arith.constant 0 : i32
    %dma_start3A_62 = tpu.memref_slice %dma_start3A_60[%dma_start3A_61] : memref<172606xf32, #tpu.memory_space<hbm>> -> memref<172606xf32, #tpu.memory_space<hbm>>
    tpu.enqueue_indirect_dma source(%dma_start3A_62 : memref<172606xf32, #tpu.memory_space<hbm>>) target(%dma_start3A_58 : memref<512xf32, #tpu.memory_space<vmem>>) offsets(%arg10 : memref<512xi32, #tpu.memory_space<vmem>>) semaphore(%arg16 : memref<!tpu.dma_semaphore, #tpu.memory_space<semaphore_mem>>)
    %dma_start3A_63 = arith.constant 512 : i32
    %dma_start3A_64 = tpu.memref_slice %arg12[%dma_start3A_63] : memref<4096xf32, #tpu.memory_space<vmem>> -> memref<512xf32, #tpu.memory_space<vmem>>
    %dma_start3A_65 = arith.constant 172608 : i32
    %dma_start3A_66 = tpu.memref_slice %arg5[%dma_start3A_65] : memref<1380864xf32, #tpu.memory_space<hbm>> -> memref<172606xf32, #tpu.memory_space<hbm>>
    %dma_start3A_67 = arith.constant 0 : i32
    %dma_start3A_68 = tpu.memref_slice %dma_start3A_66[%dma_start3A_67] : memref<172606xf32, #tpu.memory_space<hbm>> -> memref<172606xf32, #tpu.memory_space<hbm>>
    tpu.enqueue_indirect_dma source(%dma_start3A_68 : memref<172606xf32, #tpu.memory_space<hbm>>) target(%dma_start3A_64 : memref<512xf32, #tpu.memory_space<vmem>>) offsets(%arg10 : memref<512xi32, #tpu.memory_space<vmem>>) semaphore(%arg16 : memref<!tpu.dma_semaphore, #tpu.memory_space<semaphore_mem>>)
    %dma_start3A_69 = arith.constant 1024 : i32
    %dma_start3A_70 = tpu.memref_slice %arg12[%dma_start3A_69] : memref<4096xf32, #tpu.memory_space<vmem>> -> memref<512xf32, #tpu.memory_space<vmem>>
    %dma_start3A_71 = arith.constant 345216 : i32
    %dma_start3A_72 = tpu.memref_slice %arg5[%dma_start3A_71] : memref<1380864xf32, #tpu.memory_space<hbm>> -> memref<172606xf32, #tpu.memory_space<hbm>>
    %dma_start3A_73 = arith.constant 0 : i32
    %dma_start3A_74 = tpu.memref_slice %dma_start3A_72[%dma_start3A_73] : memref<172606xf32, #tpu.memory_space<hbm>> -> memref<172606xf32, #tpu.memory_space<hbm>>
    tpu.enqueue_indirect_dma source(%dma_start3A_74 : memref<172606xf32, #tpu.memory_space<hbm>>) target(%dma_start3A_70 : memref<512xf32, #tpu.memory_space<vmem>>) offsets(%arg10 : memref<512xi32, #tpu.memory_space<vmem>>) semaphore(%arg16 : memref<!tpu.dma_semaphore, #tpu.memory_space<semaphore_mem>>)
    %dma_start3A_75 = arith.constant 1536 : i32
    %dma_start3A_76 = tpu.memref_slice %arg12[%dma_start3A_75] : memref<4096xf32, #tpu.memory_space<vmem>> -> memref<512xf32, #tpu.memory_space<vmem>>
    %dma_start3A_77 = arith.constant 517824 : i32
    %dma_start3A_78 = tpu.memref_slice %arg5[%dma_start3A_77] : memref<1380864xf32, #tpu.memory_space<hbm>> -> memref<172606xf32, #tpu.memory_space<hbm>>
    %dma_start3A_79 = arith.constant 0 : i32
    %dma_start3A_80 = tpu.memref_slice %dma_start3A_78[%dma_start3A_79] : memref<172606xf32, #tpu.memory_space<hbm>> -> memref<172606xf32, #tpu.memory_space<hbm>>
    tpu.enqueue_indirect_dma source(%dma_start3A_80 : memref<172606xf32, #tpu.memory_space<hbm>>) target(%dma_start3A_76 : memref<512xf32, #tpu.memory_space<vmem>>) offsets(%arg10 : memref<512xi32, #tpu.memory_space<vmem>>) semaphore(%arg16 : memref<!tpu.dma_semaphore, #tpu.memory_space<semaphore_mem>>)
    %dma_start3A_81 = arith.constant 2048 : i32
    %dma_start3A_82 = tpu.memref_slice %arg12[%dma_start3A_81] : memref<4096xf32, #tpu.memory_space<vmem>> -> memref<512xf32, #tpu.memory_space<vmem>>
    %dma_start3A_83 = arith.constant 690432 : i32
    %dma_start3A_84 = tpu.memref_slice %arg5[%dma_start3A_83] : memref<1380864xf32, #tpu.memory_space<hbm>> -> memref<172606xf32, #tpu.memory_space<hbm>>
    %dma_start3A_85 = arith.constant 0 : i32
    %dma_start3A_86 = tpu.memref_slice %dma_start3A_84[%dma_start3A_85] : memref<172606xf32, #tpu.memory_space<hbm>> -> memref<172606xf32, #tpu.memory_space<hbm>>
    tpu.enqueue_indirect_dma source(%dma_start3A_86 : memref<172606xf32, #tpu.memory_space<hbm>>) target(%dma_start3A_82 : memref<512xf32, #tpu.memory_space<vmem>>) offsets(%arg10 : memref<512xi32, #tpu.memory_space<vmem>>) semaphore(%arg16 : memref<!tpu.dma_semaphore, #tpu.memory_space<semaphore_mem>>)
    %dma_start3A_87 = arith.constant 2560 : i32
    %dma_start3A_88 = tpu.memref_slice %arg12[%dma_start3A_87] : memref<4096xf32, #tpu.memory_space<vmem>> -> memref<512xf32, #tpu.memory_space<vmem>>
    %dma_start3A_89 = arith.constant 863040 : i32
    %dma_start3A_90 = tpu.memref_slice %arg5[%dma_start3A_89] : memref<1380864xf32, #tpu.memory_space<hbm>> -> memref<172606xf32, #tpu.memory_space<hbm>>
    %dma_start3A_91 = arith.constant 0 : i32
    %dma_start3A_92 = tpu.memref_slice %dma_start3A_90[%dma_start3A_91] : memref<172606xf32, #tpu.memory_space<hbm>> -> memref<172606xf32, #tpu.memory_space<hbm>>
    tpu.enqueue_indirect_dma source(%dma_start3A_92 : memref<172606xf32, #tpu.memory_space<hbm>>) target(%dma_start3A_88 : memref<512xf32, #tpu.memory_space<vmem>>) offsets(%arg10 : memref<512xi32, #tpu.memory_space<vmem>>) semaphore(%arg16 : memref<!tpu.dma_semaphore, #tpu.memory_space<semaphore_mem>>)
    %dma_start3A_93 = arith.constant 3072 : i32
    %dma_start3A_94 = tpu.memref_slice %arg12[%dma_start3A_93] : memref<4096xf32, #tpu.memory_space<vmem>> -> memref<512xf32, #tpu.memory_space<vmem>>
    %dma_start3A_95 = arith.constant 1035648 : i32
    %dma_start3A_96 = tpu.memref_slice %arg5[%dma_start3A_95] : memref<1380864xf32, #tpu.memory_space<hbm>> -> memref<172606xf32, #tpu.memory_space<hbm>>
    %dma_start3A_97 = arith.constant 0 : i32
    %dma_start3A_98 = tpu.memref_slice %dma_start3A_96[%dma_start3A_97] : memref<172606xf32, #tpu.memory_space<hbm>> -> memref<172606xf32, #tpu.memory_space<hbm>>
    tpu.enqueue_indirect_dma source(%dma_start3A_98 : memref<172606xf32, #tpu.memory_space<hbm>>) target(%dma_start3A_94 : memref<512xf32, #tpu.memory_space<vmem>>) offsets(%arg10 : memref<512xi32, #tpu.memory_space<vmem>>) semaphore(%arg16 : memref<!tpu.dma_semaphore, #tpu.memory_space<semaphore_mem>>)
    %dma_start3A_99 = arith.constant 3584 : i32
    %dma_start3A_100 = tpu.memref_slice %arg12[%dma_start3A_99] : memref<4096xf32, #tpu.memory_space<vmem>> -> memref<512xf32, #tpu.memory_space<vmem>>
    %dma_start3A_101 = arith.constant 1208256 : i32
    %dma_start3A_102 = tpu.memref_slice %arg5[%dma_start3A_101] : memref<1380864xf32, #tpu.memory_space<hbm>> -> memref<172606xf32, #tpu.memory_space<hbm>>
    %dma_start3A_103 = arith.constant 0 : i32
    %dma_start3A_104 = tpu.memref_slice %dma_start3A_102[%dma_start3A_103] : memref<172606xf32, #tpu.memory_space<hbm>> -> memref<172606xf32, #tpu.memory_space<hbm>>
    tpu.enqueue_indirect_dma source(%dma_start3A_104 : memref<172606xf32, #tpu.memory_space<hbm>>) target(%dma_start3A_100 : memref<512xf32, #tpu.memory_space<vmem>>) offsets(%arg10 : memref<512xi32, #tpu.memory_space<vmem>>) semaphore(%arg16 : memref<!tpu.dma_semaphore, #tpu.memory_space<semaphore_mem>>)
    tpu.wait_dma2 semaphore(%arg17 : memref<!tpu.dma_semaphore, #tpu.memory_space<semaphore_mem>>) src(%arg6 : memref<2192xf32, #tpu.memory_space<hbm>>) dst(%arg13 : memref<2192xf32, #tpu.memory_space<vmem>>)
    tpu.wait_dma2 semaphore(%arg17 : memref<!tpu.dma_semaphore, #tpu.memory_space<semaphore_mem>>) src(%arg7 : memref<16x64xf32, #tpu.memory_space<hbm>>) dst(%arg14 : memref<16x64xf32, #tpu.memory_space<vmem>>)
    %broadcast_in_dim3A = arith.constant 0.000000e+00 : f32
    %broadcast_in_dim3A_105 = vector.broadcast %broadcast_in_dim3A : f32 to vector<16xf32>
    %get3A = arith.constant 2144 : index
    %get3A_106 = tpu.vector_load %arg13[%get3A] {strides = array<i32>} : memref<2192xf32, #tpu.memory_space<vmem>>, vector<16xf32>,
    %get3A_107 = arith.constant 2160 : index
    %get3A_108 = tpu.vector_load %arg13[%get3A_107] {strides = array<i32>} : memref<2192xf32, #tpu.memory_space<vmem>>, vector<16xf32>,
    %slice3A = vector.extract_strided_slice %get3A_106 {offsets = [0], sizes = [1], strides = [1]} : vector<16xf32> to vector<1xf32>
    %squeeze3A = vector.extract %slice3A[0] : f32 from vector<1xf32>
    %get3A_109 = arith.constant 0 : index
    %get3A_110 = tpu.vector_load %arg13[%get3A_109] {strides = array<i32>} : memref<2192xf32, #tpu.memory_space<vmem>>, vector<16xf32>,
    %mul3A_111 = vector.broadcast %squeeze3A : f32 to vector<16xf32>
    %mul3A_112 = arith.mulf %get3A_110, %mul3A_111 : vector<16xf32>
    %add3A_113 = arith.addf %broadcast_in_dim3A_105, %mul3A_112 : vector<16xf32>
    %get3A_114 = arith.constant 16 : index
    %get3A_115 = tpu.vector_load %arg13[%get3A_114] {strides = array<i32>} : memref<2192xf32, #tpu.memory_space<vmem>>, vector<16xf32>,
    %mul3A_116 = vector.broadcast %squeeze3A : f32 to vector<16xf32>
    %mul3A_117 = arith.mulf %get3A_115, %mul3A_116 : vector<16xf32>
    %add3A_118 = arith.addf %broadcast_in_dim3A_105, %mul3A_117 : vector<16xf32>
    %get3A_119 = arith.constant 32 : index
    %get3A_120 = tpu.vector_load %arg13[%get3A_119] {strides = array<i32>} : memref<2192xf32, #tpu.memory_space<vmem>>, vector<16xf32>,
    %mul3A_121 = vector.broadcast %squeeze3A : f32 to vector<16xf32>
    %mul3A_122 = arith.mulf %get3A_120, %mul3A_121 : vector<16xf32>
    %add3A_123 = arith.addf %broadcast_in_dim3A_105, %mul3A_122 : vector<16xf32>
    %get3A_124 = arith.constant 48 : index
    %get3A_125 = tpu.vector_load %arg13[%get3A_124] {strides = array<i32>} : memref<2192xf32, #tpu.memory_space<vmem>>, vector<16xf32>,
    %mul3A_126 = vector.broadcast %squeeze3A : f32 to vector<16xf32>
    %mul3A_127 = arith.mulf %get3A_125, %mul3A_126 : vector<16xf32>
    %add3A_128 = arith.addf %broadcast_in_dim3A_105, %mul3A_127 : vector<16xf32>
    %slice3A_129 = vector.extract_strided_slice %get3A_106 {offsets = [1], sizes = [1], strides = [1]} : vector<16xf32> to vector<1xf32>
    %squeeze3A_130 = vector.extract %slice3A_129[0] : f32 from vector<1xf32>
    %get3A_131 = arith.constant 64 : index
    %get3A_132 = tpu.vector_load %arg13[%get3A_131] {strides = array<i32>} : memref<2192xf32, #tpu.memory_space<vmem>>, vector<16xf32>,
    %mul3A_133 = vector.broadcast %squeeze3A_130 : f32 to vector<16xf32>
    %mul3A_134 = arith.mulf %get3A_132, %mul3A_133 : vector<16xf32>
    %add3A_135 = arith.addf %add3A_113, %mul3A_134 : vector<16xf32>
    %get3A_136 = arith.constant 80 : index
    %get3A_137 = tpu.vector_load %arg13[%get3A_136] {strides = array<i32>} : memref<2192xf32, #tpu.memory_space<vmem>>, vector<16xf32>,
    %mul3A_138 = vector.broadcast %squeeze3A_130 : f32 to vector<16xf32>
    %mul3A_139 = arith.mulf %get3A_137, %mul3A_138 : vector<16xf32>
    %add3A_140 = arith.addf %add3A_118, %mul3A_139 : vector<16xf32>
    %get3A_141 = arith.constant 96 : index
    %get3A_142 = tpu.vector_load %arg13[%get3A_141] {strides = array<i32>} : memref<2192xf32, #tpu.memory_space<vmem>>, vector<16xf32>,
    %mul3A_143 = vector.broadcast %squeeze3A_130 : f32 to vector<16xf32>
    %mul3A_144 = arith.mulf %get3A_142, %mul3A_143 : vector<16xf32>
    %add3A_145 = arith.addf %add3A_123, %mul3A_144 : vector<16xf32>
    %get3A_146 = arith.constant 112 : index
    %get3A_147 = tpu.vector_load %arg13[%get3A_146] {strides = array<i32>} : memref<2192xf32, #tpu.memory_space<vmem>>, vector<16xf32>,
    %mul3A_148 = vector.broadcast %squeeze3A_130 : f32 to vector<16xf32>
    %mul3A_149 = arith.mulf %get3A_147, %mul3A_148 : vector<16xf32>
    %add3A_150 = arith.addf %add3A_128, %mul3A_149 : vector<16xf32>
    %slice3A_151 = vector.extract_strided_slice %get3A_106 {offsets = [2], sizes = [1], strides = [1]} : vector<16xf32> to vector<1xf32>
    %squeeze3A_152 = vector.extract %slice3A_151[0] : f32 from vector<1xf32>
    %get3A_153 = arith.constant 128 : index
    %get3A_154 = tpu.vector_load %arg13[%get3A_153] {strides = array<i32>} : memref<2192xf32, #tpu.memory_space<vmem>>, vector<16xf32>,
    %mul3A_155 = vector.broadcast %squeeze3A_152 : f32 to vector<16xf32>
    %mul3A_156 = arith.mulf %get3A_154, %mul3A_155 : vector<16xf32>
    %add3A_157 = arith.addf %add3A_135, %mul3A_156 : vector<16xf32>
    %get3A_158 = arith.constant 144 : index
    %get3A_159 = tpu.vector_load %arg13[%get3A_158] {strides = array<i32>} : memref<2192xf32, #tpu.memory_space<vmem>>, vector<16xf32>,
    %mul3A_160 = vector.broadcast %squeeze3A_152 : f32 to vector<16xf32>
    %mul3A_161 = arith.mulf %get3A_159, %mul3A_160 : vector<16xf32>
    %add3A_162 = arith.addf %add3A_140, %mul3A_161 : vector<16xf32>
    %get3A_163 = arith.constant 160 : index
    %get3A_164 = tpu.vector_load %arg13[%get3A_163] {strides = array<i32>} : memref<2192xf32, #tpu.memory_space<vmem>>, vector<16xf32>,
    %mul3A_165 = vector.broadcast %squeeze3A_152 : f32 to vector<16xf32>
    %mul3A_166 = arith.mulf %get3A_164, %mul3A_165 : vector<16xf32>
    %add3A_167 = arith.addf %add3A_145, %mul3A_166 : vector<16xf32>
    %get3A_168 = arith.constant 176 : index
    %get3A_169 = tpu.vector_load %arg13[%get3A_168] {strides = array<i32>} : memref<2192xf32, #tpu.memory_space<vmem>>, vector<16xf32>,
    %mul3A_170 = vector.broadcast %squeeze3A_152 : f32 to vector<16xf32>
    %mul3A_171 = arith.mulf %get3A_169, %mul3A_170 : vector<16xf32>
    %add3A_172 = arith.addf %add3A_150, %mul3A_171 : vector<16xf32>
    %slice3A_173 = vector.extract_strided_slice %get3A_106 {offsets = [3], sizes = [1], strides = [1]} : vector<16xf32> to vector<1xf32>
    %squeeze3A_174 = vector.extract %slice3A_173[0] : f32 from vector<1xf32>
    %get3A_175 = arith.constant 192 : index
    %get3A_176 = tpu.vector_load %arg13[%get3A_175] {strides = array<i32>} : memref<2192xf32, #tpu.memory_space<vmem>>, vector<16xf32>,
    %mul3A_177 = vector.broadcast %squeeze3A_174 : f32 to vector<16xf32>
    %mul3A_178 = arith.mulf %get3A_176, %mul3A_177 : vector<16xf32>
    %add3A_179 = arith.addf %add3A_157, %mul3A_178 : vector<16xf32>
    %get3A_180 = arith.constant 208 : index
    %get3A_181 = tpu.vector_load %arg13[%get3A_180] {strides = array<i32>} : memref<2192xf32, #tpu.memory_space<vmem>>, vector<16xf32>,
    %mul3A_182 = vector.broadcast %squeeze3A_174 : f32 to vector<16xf32>
    %mul3A_183 = arith.mulf %get3A_181, %mul3A_182 : vector<16xf32>
    %add3A_184 = arith.addf %add3A_162, %mul3A_183 : vector<16xf32>
    %get3A_185 = arith.constant 224 : index
    %get3A_186 = tpu.vector_load %arg13[%get3A_185] {strides = array<i32>} : memref<2192xf32, #tpu.memory_space<vmem>>, vector<16xf32>,
    %mul3A_187 = vector.broadcast %squeeze3A_174 : f32 to vector<16xf32>
    %mul3A_188 = arith.mulf %get3A_186, %mul3A_187 : vector<16xf32>
    %add3A_189 = arith.addf %add3A_167, %mul3A_188 : vector<16xf32>
    %get3A_190 = arith.constant 240 : index
    %get3A_191 = tpu.vector_load %arg13[%get3A_190] {strides = array<i32>} : memref<2192xf32, #tpu.memory_space<vmem>>, vector<16xf32>,
    %mul3A_192 = vector.broadcast %squeeze3A_174 : f32 to vector<16xf32>
    %mul3A_193 = arith.mulf %get3A_191, %mul3A_192 : vector<16xf32>
    %add3A_194 = arith.addf %add3A_172, %mul3A_193 : vector<16xf32>
    %slice3A_195 = vector.extract_strided_slice %get3A_106 {offsets = [4], sizes = [1], strides = [1]} : vector<16xf32> to vector<1xf32>
    %squeeze3A_196 = vector.extract %slice3A_195[0] : f32 from vector<1xf32>
    %get3A_197 = arith.constant 256 : index
    %get3A_198 = tpu.vector_load %arg13[%get3A_197] {strides = array<i32>} : memref<2192xf32, #tpu.memory_space<vmem>>, vector<16xf32>,
    %mul3A_199 = vector.broadcast %squeeze3A_196 : f32 to vector<16xf32>
    %mul3A_200 = arith.mulf %get3A_198, %mul3A_199 : vector<16xf32>
    %add3A_201 = arith.addf %add3A_179, %mul3A_200 : vector<16xf32>
    %get3A_202 = arith.constant 272 : index
    %get3A_203 = tpu.vector_load %arg13[%get3A_202] {strides = array<i32>} : memref<2192xf32, #tpu.memory_space<vmem>>, vector<16xf32>,
    %mul3A_204 = vector.broadcast %squeeze3A_196 : f32 to vector<16xf32>
    %mul3A_205 = arith.mulf %get3A_203, %mul3A_204 : vector<16xf32>
    %add3A_206 = arith.addf %add3A_184, %mul3A_205 : vector<16xf32>
    %get3A_207 = arith.constant 288 : index
    %get3A_208 = tpu.vector_load %arg13[%get3A_207] {strides = array<i32>} : memref<2192xf32, #tpu.memory_space<vmem>>, vector<16xf32>,
    %mul3A_209 = vector.broadcast %squeeze3A_196 : f32 to vector<16xf32>
    %mul3A_210 = arith.mulf %get3A_208, %mul3A_209 : vector<16xf32>
    %add3A_211 = arith.addf %add3A_189, %mul3A_210 : vector<16xf32>
    %get3A_212 = arith.constant 304 : index
    %get3A_213 = tpu.vector_load %arg13[%get3A_212] {strides = array<i32>} : memref<2192xf32, #tpu.memory_space<vmem>>, vector<16xf32>,
    %mul3A_214 = vector.broadcast %squeeze3A_196 : f32 to vector<16xf32>
    %mul3A_215 = arith.mulf %get3A_213, %mul3A_214 : vector<16xf32>
    %add3A_216 = arith.addf %add3A_194, %mul3A_215 : vector<16xf32>
    %slice3A_217 = vector.extract_strided_slice %get3A_106 {offsets = [5], sizes = [1], strides = [1]} : vector<16xf32> to vector<1xf32>
    %squeeze3A_218 = vector.extract %slice3A_217[0] : f32 from vector<1xf32>
    %get3A_219 = arith.constant 320 : index
    %get3A_220 = tpu.vector_load %arg13[%get3A_219] {strides = array<i32>} : memref<2192xf32, #tpu.memory_space<vmem>>, vector<16xf32>,
    %mul3A_221 = vector.broadcast %squeeze3A_218 : f32 to vector<16xf32>
    %mul3A_222 = arith.mulf %get3A_220, %mul3A_221 : vector<16xf32>
    %add3A_223 = arith.addf %add3A_201, %mul3A_222 : vector<16xf32>
    %get3A_224 = arith.constant 336 : index
    %get3A_225 = tpu.vector_load %arg13[%get3A_224] {strides = array<i32>} : memref<2192xf32, #tpu.memory_space<vmem>>, vector<16xf32>,
    %mul3A_226 = vector.broadcast %squeeze3A_218 : f32 to vector<16xf32>
    %mul3A_227 = arith.mulf %get3A_225, %mul3A_226 : vector<16xf32>
    %add3A_228 = arith.addf %add3A_206, %mul3A_227 : vector<16xf32>
    %get3A_229 = arith.constant 352 : index
    %get3A_230 = tpu.vector_load %arg13[%get3A_229] {strides = array<i32>} : memref<2192xf32, #tpu.memory_space<vmem>>, vector<16xf32>,
    %mul3A_231 = vector.broadcast %squeeze3A_218 : f32 to vector<16xf32>
    %mul3A_232 = arith.mulf %get3A_230, %mul3A_231 : vector<16xf32>
    %add3A_233 = arith.addf %add3A_211, %mul3A_232 : vector<16xf32>
    %get3A_234 = arith.constant 368 : index
    %get3A_235 = tpu.vector_load %arg13[%get3A_234] {strides = array<i32>} : memref<2192xf32, #tpu.memory_space<vmem>>, vector<16xf32>,
    %mul3A_236 = vector.broadcast %squeeze3A_218 : f32 to vector<16xf32>
    %mul3A_237 = arith.mulf %get3A_235, %mul3A_236 : vector<16xf32>
    %add3A_238 = arith.addf %add3A_216, %mul3A_237 : vector<16xf32>
    %slice3A_239 = vector.extract_strided_slice %get3A_106 {offsets = [6], sizes = [1], strides = [1]} : vector<16xf32> to vector<1xf32>
    %squeeze3A_240 = vector.extract %slice3A_239[0] : f32 from vector<1xf32>
    %get3A_241 = arith.constant 384 : index
    %get3A_242 = tpu.vector_load %arg13[%get3A_241] {strides = array<i32>} : memref<2192xf32, #tpu.memory_space<vmem>>, vector<16xf32>,
    %mul3A_243 = vector.broadcast %squeeze3A_240 : f32 to vector<16xf32>
    %mul3A_244 = arith.mulf %get3A_242, %mul3A_243 : vector<16xf32>
    %add3A_245 = arith.addf %add3A_223, %mul3A_244 : vector<16xf32>
    %get3A_246 = arith.constant 400 : index
    %get3A_247 = tpu.vector_load %arg13[%get3A_246] {strides = array<i32>} : memref<2192xf32, #tpu.memory_space<vmem>>, vector<16xf32>,
    %mul3A_248 = vector.broadcast %squeeze3A_240 : f32 to vector<16xf32>
    %mul3A_249 = arith.mulf %get3A_247, %mul3A_248 : vector<16xf32>
    %add3A_250 = arith.addf %add3A_228, %mul3A_249 : vector<16xf32>
    %get3A_251 = arith.constant 416 : index
    %get3A_252 = tpu.vector_load %arg13[%get3A_251] {strides = array<i32>} : memref<2192xf32, #tpu.memory_space<vmem>>, vector<16xf32>,
    %mul3A_253 = vector.broadcast %squeeze3A_240 : f32 to vector<16xf32>
    %mul3A_254 = arith.mulf %get3A_252, %mul3A_253 : vector<16xf32>
    %add3A_255 = arith.addf %add3A_233, %mul3A_254 : vector<16xf32>
    %get3A_256 = arith.constant 432 : index
    %get3A_257 = tpu.vector_load %arg13[%get3A_256] {strides = array<i32>} : memref<2192xf32, #tpu.memory_space<vmem>>, vector<16xf32>,
    %mul3A_258 = vector.broadcast %squeeze3A_240 : f32 to vector<16xf32>
    %mul3A_259 = arith.mulf %get3A_257, %mul3A_258 : vector<16xf32>
    %add3A_260 = arith.addf %add3A_238, %mul3A_259 : vector<16xf32>
    %slice3A_261 = vector.extract_strided_slice %get3A_106 {offsets = [7], sizes = [1], strides = [1]} : vector<16xf32> to vector<1xf32>
    %squeeze3A_262 = vector.extract %slice3A_261[0] : f32 from vector<1xf32>
    %get3A_263 = arith.constant 448 : index
    %get3A_264 = tpu.vector_load %arg13[%get3A_263] {strides = array<i32>} : memref<2192xf32, #tpu.memory_space<vmem>>, vector<16xf32>,
    %mul3A_265 = vector.broadcast %squeeze3A_262 : f32 to vector<16xf32>
    %mul3A_266 = arith.mulf %get3A_264, %mul3A_265 : vector<16xf32>
    %add3A_267 = arith.addf %add3A_245, %mul3A_266 : vector<16xf32>
    %get3A_268 = arith.constant 464 : index
    %get3A_269 = tpu.vector_load %arg13[%get3A_268] {strides = array<i32>} : memref<2192xf32, #tpu.memory_space<vmem>>, vector<16xf32>,
    %mul3A_270 = vector.broadcast %squeeze3A_262 : f32 to vector<16xf32>
    %mul3A_271 = arith.mulf %get3A_269, %mul3A_270 : vector<16xf32>
    %add3A_272 = arith.addf %add3A_250, %mul3A_271 : vector<16xf32>
    %get3A_273 = arith.constant 480 : index
    %get3A_274 = tpu.vector_load %arg13[%get3A_273] {strides = array<i32>} : memref<2192xf32, #tpu.memory_space<vmem>>, vector<16xf32>,
    %mul3A_275 = vector.broadcast %squeeze3A_262 : f32 to vector<16xf32>
    %mul3A_276 = arith.mulf %get3A_274, %mul3A_275 : vector<16xf32>
    %add3A_277 = arith.addf %add3A_255, %mul3A_276 : vector<16xf32>
    %get3A_278 = arith.constant 496 : index
    %get3A_279 = tpu.vector_load %arg13[%get3A_278] {strides = array<i32>} : memref<2192xf32, #tpu.memory_space<vmem>>, vector<16xf32>,
    %mul3A_280 = vector.broadcast %squeeze3A_262 : f32 to vector<16xf32>
    %mul3A_281 = arith.mulf %get3A_279, %mul3A_280 : vector<16xf32>
    %add3A_282 = arith.addf %add3A_260, %mul3A_281 : vector<16xf32>
    %slice3A_283 = vector.extract_strided_slice %get3A_106 {offsets = [8], sizes = [1], strides = [1]} : vector<16xf32> to vector<1xf32>
    %squeeze3A_284 = vector.extract %slice3A_283[0] : f32 from vector<1xf32>
    %get3A_285 = arith.constant 512 : index
    %get3A_286 = tpu.vector_load %arg13[%get3A_285] {strides = array<i32>} : memref<2192xf32, #tpu.memory_space<vmem>>, vector<16xf32>,
    %mul3A_287 = vector.broadcast %squeeze3A_284 : f32 to vector<16xf32>
    %mul3A_288 = arith.mulf %get3A_286, %mul3A_287 : vector<16xf32>
    %add3A_289 = arith.addf %add3A_267, %mul3A_288 : vector<16xf32>
    %get3A_290 = arith.constant 528 : index
    %get3A_291 = tpu.vector_load %arg13[%get3A_290] {strides = array<i32>} : memref<2192xf32, #tpu.memory_space<vmem>>, vector<16xf32>,
    %mul3A_292 = vector.broadcast %squeeze3A_284 : f32 to vector<16xf32>
    %mul3A_293 = arith.mulf %get3A_291, %mul3A_292 : vector<16xf32>
    %add3A_294 = arith.addf %add3A_272, %mul3A_293 : vector<16xf32>
    %get3A_295 = arith.constant 544 : index
    %get3A_296 = tpu.vector_load %arg13[%get3A_295] {strides = array<i32>} : memref<2192xf32, #tpu.memory_space<vmem>>, vector<16xf32>,
    %mul3A_297 = vector.broadcast %squeeze3A_284 : f32 to vector<16xf32>
    %mul3A_298 = arith.mulf %get3A_296, %mul3A_297 : vector<16xf32>
    %add3A_299 = arith.addf %add3A_277, %mul3A_298 : vector<16xf32>
    %get3A_300 = arith.constant 560 : index
    %get3A_301 = tpu.vector_load %arg13[%get3A_300] {strides = array<i32>} : memref<2192xf32, #tpu.memory_space<vmem>>, vector<16xf32>,
    %mul3A_302 = vector.broadcast %squeeze3A_284 : f32 to vector<16xf32>
    %mul3A_303 = arith.mulf %get3A_301, %mul3A_302 : vector<16xf32>
    %add3A_304 = arith.addf %add3A_282, %mul3A_303 : vector<16xf32>
    %slice3A_305 = vector.extract_strided_slice %get3A_106 {offsets = [9], sizes = [1], strides = [1]} : vector<16xf32> to vector<1xf32>
    %squeeze3A_306 = vector.extract %slice3A_305[0] : f32 from vector<1xf32>
    %get3A_307 = arith.constant 576 : index
    %get3A_308 = tpu.vector_load %arg13[%get3A_307] {strides = array<i32>} : memref<2192xf32, #tpu.memory_space<vmem>>, vector<16xf32>,
    %mul3A_309 = vector.broadcast %squeeze3A_306 : f32 to vector<16xf32>
    %mul3A_310 = arith.mulf %get3A_308, %mul3A_309 : vector<16xf32>
    %add3A_311 = arith.addf %add3A_289, %mul3A_310 : vector<16xf32>
    %get3A_312 = arith.constant 592 : index
    %get3A_313 = tpu.vector_load %arg13[%get3A_312] {strides = array<i32>} : memref<2192xf32, #tpu.memory_space<vmem>>, vector<16xf32>,
    %mul3A_314 = vector.broadcast %squeeze3A_306 : f32 to vector<16xf32>
    %mul3A_315 = arith.mulf %get3A_313, %mul3A_314 : vector<16xf32>
    %add3A_316 = arith.addf %add3A_294, %mul3A_315 : vector<16xf32>
    %get3A_317 = arith.constant 608 : index
    %get3A_318 = tpu.vector_load %arg13[%get3A_317] {strides = array<i32>} : memref<2192xf32, #tpu.memory_space<vmem>>, vector<16xf32>,
    %mul3A_319 = vector.broadcast %squeeze3A_306 : f32 to vector<16xf32>
    %mul3A_320 = arith.mulf %get3A_318, %mul3A_319 : vector<16xf32>
    %add3A_321 = arith.addf %add3A_299, %mul3A_320 : vector<16xf32>
    %get3A_322 = arith.constant 624 : index
    %get3A_323 = tpu.vector_load %arg13[%get3A_322] {strides = array<i32>} : memref<2192xf32, #tpu.memory_space<vmem>>, vector<16xf32>,
    %mul3A_324 = vector.broadcast %squeeze3A_306 : f32 to vector<16xf32>
    %mul3A_325 = arith.mulf %get3A_323, %mul3A_324 : vector<16xf32>
    %add3A_326 = arith.addf %add3A_304, %mul3A_325 : vector<16xf32>
    %slice3A_327 = vector.extract_strided_slice %get3A_106 {offsets = [10], sizes = [1], strides = [1]} : vector<16xf32> to vector<1xf32>
    %squeeze3A_328 = vector.extract %slice3A_327[0] : f32 from vector<1xf32>
    %get3A_329 = arith.constant 640 : index
    %get3A_330 = tpu.vector_load %arg13[%get3A_329] {strides = array<i32>} : memref<2192xf32, #tpu.memory_space<vmem>>, vector<16xf32>,
    %mul3A_331 = vector.broadcast %squeeze3A_328 : f32 to vector<16xf32>
    %mul3A_332 = arith.mulf %get3A_330, %mul3A_331 : vector<16xf32>
    %add3A_333 = arith.addf %add3A_311, %mul3A_332 : vector<16xf32>
    %get3A_334 = arith.constant 656 : index
    %get3A_335 = tpu.vector_load %arg13[%get3A_334] {strides = array<i32>} : memref<2192xf32, #tpu.memory_space<vmem>>, vector<16xf32>,
    %mul3A_336 = vector.broadcast %squeeze3A_328 : f32 to vector<16xf32>
    %mul3A_337 = arith.mulf %get3A_335, %mul3A_336 : vector<16xf32>
    %add3A_338 = arith.addf %add3A_316, %mul3A_337 : vector<16xf32>
    %get3A_339 = arith.constant 672 : index
    %get3A_340 = tpu.vector_load %arg13[%get3A_339] {strides = array<i32>} : memref<2192xf32, #tpu.memory_space<vmem>>, vector<16xf32>,
    %mul3A_341 = vector.broadcast %squeeze3A_328 : f32 to vector<16xf32>
    %mul3A_342 = arith.mulf %get3A_340, %mul3A_341 : vector<16xf32>
    %add3A_343 = arith.addf %add3A_321, %mul3A_342 : vector<16xf32>
    %get3A_344 = arith.constant 688 : index
    %get3A_345 = tpu.vector_load %arg13[%get3A_344] {strides = array<i32>} : memref<2192xf32, #tpu.memory_space<vmem>>, vector<16xf32>,
    %mul3A_346 = vector.broadcast %squeeze3A_328 : f32 to vector<16xf32>
    %mul3A_347 = arith.mulf %get3A_345, %mul3A_346 : vector<16xf32>
    %add3A_348 = arith.addf %add3A_326, %mul3A_347 : vector<16xf32>
    %slice3A_349 = vector.extract_strided_slice %get3A_106 {offsets = [11], sizes = [1], strides = [1]} : vector<16xf32> to vector<1xf32>
    %squeeze3A_350 = vector.extract %slice3A_349[0] : f32 from vector<1xf32>
    %get3A_351 = arith.constant 704 : index
    %get3A_352 = tpu.vector_load %arg13[%get3A_351] {strides = array<i32>} : memref<2192xf32, #tpu.memory_space<vmem>>, vector<16xf32>,
    %mul3A_353 = vector.broadcast %squeeze3A_350 : f32 to vector<16xf32>
    %mul3A_354 = arith.mulf %get3A_352, %mul3A_353 : vector<16xf32>
    %add3A_355 = arith.addf %add3A_333, %mul3A_354 : vector<16xf32>
    %get3A_356 = arith.constant 720 : index
    %get3A_357 = tpu.vector_load %arg13[%get3A_356] {strides = array<i32>} : memref<2192xf32, #tpu.memory_space<vmem>>, vector<16xf32>,
    %mul3A_358 = vector.broadcast %squeeze3A_350 : f32 to vector<16xf32>
    %mul3A_359 = arith.mulf %get3A_357, %mul3A_358 : vector<16xf32>
    %add3A_360 = arith.addf %add3A_338, %mul3A_359 : vector<16xf32>
    %get3A_361 = arith.constant 736 : index
    %get3A_362 = tpu.vector_load %arg13[%get3A_361] {strides = array<i32>} : memref<2192xf32, #tpu.memory_space<vmem>>, vector<16xf32>,
    %mul3A_363 = vector.broadcast %squeeze3A_350 : f32 to vector<16xf32>
    %mul3A_364 = arith.mulf %get3A_362, %mul3A_363 : vector<16xf32>
    %add3A_365 = arith.addf %add3A_343, %mul3A_364 : vector<16xf32>
    %get3A_366 = arith.constant 752 : index
    %get3A_367 = tpu.vector_load %arg13[%get3A_366] {strides = array<i32>} : memref<2192xf32, #tpu.memory_space<vmem>>, vector<16xf32>,
    %mul3A_368 = vector.broadcast %squeeze3A_350 : f32 to vector<16xf32>
    %mul3A_369 = arith.mulf %get3A_367, %mul3A_368 : vector<16xf32>
    %add3A_370 = arith.addf %add3A_348, %mul3A_369 : vector<16xf32>
    %slice3A_371 = vector.extract_strided_slice %get3A_106 {offsets = [12], sizes = [1], strides = [1]} : vector<16xf32> to vector<1xf32>
    %squeeze3A_372 = vector.extract %slice3A_371[0] : f32 from vector<1xf32>
    %get3A_373 = arith.constant 768 : index
    %get3A_374 = tpu.vector_load %arg13[%get3A_373] {strides = array<i32>} : memref<2192xf32, #tpu.memory_space<vmem>>, vector<16xf32>,
    %mul3A_375 = vector.broadcast %squeeze3A_372 : f32 to vector<16xf32>
    %mul3A_376 = arith.mulf %get3A_374, %mul3A_375 : vector<16xf32>
    %add3A_377 = arith.addf %add3A_355, %mul3A_376 : vector<16xf32>
    %get3A_378 = arith.constant 784 : index
    %get3A_379 = tpu.vector_load %arg13[%get3A_378] {strides = array<i32>} : memref<2192xf32, #tpu.memory_space<vmem>>, vector<16xf32>,
    %mul3A_380 = vector.broadcast %squeeze3A_372 : f32 to vector<16xf32>
    %mul3A_381 = arith.mulf %get3A_379, %mul3A_380 : vector<16xf32>
    %add3A_382 = arith.addf %add3A_360, %mul3A_381 : vector<16xf32>
    %get3A_383 = arith.constant 800 : index
    %get3A_384 = tpu.vector_load %arg13[%get3A_383] {strides = array<i32>} : memref<2192xf32, #tpu.memory_space<vmem>>, vector<16xf32>,
    %mul3A_385 = vector.broadcast %squeeze3A_372 : f32 to vector<16xf32>
    %mul3A_386 = arith.mulf %get3A_384, %mul3A_385 : vector<16xf32>
    %add3A_387 = arith.addf %add3A_365, %mul3A_386 : vector<16xf32>
    %get3A_388 = arith.constant 816 : index
    %get3A_389 = tpu.vector_load %arg13[%get3A_388] {strides = array<i32>} : memref<2192xf32, #tpu.memory_space<vmem>>, vector<16xf32>,
    %mul3A_390 = vector.broadcast %squeeze3A_372 : f32 to vector<16xf32>
    %mul3A_391 = arith.mulf %get3A_389, %mul3A_390 : vector<16xf32>
    %add3A_392 = arith.addf %add3A_370, %mul3A_391 : vector<16xf32>
    %slice3A_393 = vector.extract_strided_slice %get3A_106 {offsets = [13], sizes = [1], strides = [1]} : vector<16xf32> to vector<1xf32>
    %squeeze3A_394 = vector.extract %slice3A_393[0] : f32 from vector<1xf32>
    %get3A_395 = arith.constant 832 : index
    %get3A_396 = tpu.vector_load %arg13[%get3A_395] {strides = array<i32>} : memref<2192xf32, #tpu.memory_space<vmem>>, vector<16xf32>,
    %mul3A_397 = vector.broadcast %squeeze3A_394 : f32 to vector<16xf32>
    %mul3A_398 = arith.mulf %get3A_396, %mul3A_397 : vector<16xf32>
    %add3A_399 = arith.addf %add3A_377, %mul3A_398 : vector<16xf32>
    %get3A_400 = arith.constant 848 : index
    %get3A_401 = tpu.vector_load %arg13[%get3A_400] {strides = array<i32>} : memref<2192xf32, #tpu.memory_space<vmem>>, vector<16xf32>,
    %mul3A_402 = vector.broadcast %squeeze3A_394 : f32 to vector<16xf32>
    %mul3A_403 = arith.mulf %get3A_401, %mul3A_402 : vector<16xf32>
    %add3A_404 = arith.addf %add3A_382, %mul3A_403 : vector<16xf32>
    %get3A_405 = arith.constant 864 : index
    %get3A_406 = tpu.vector_load %arg13[%get3A_405] {strides = array<i32>} : memref<2192xf32, #tpu.memory_space<vmem>>, vector<16xf32>,
    %mul3A_407 = vector.broadcast %squeeze3A_394 : f32 to vector<16xf32>
    %mul3A_408 = arith.mulf %get3A_406, %mul3A_407 : vector<16xf32>
    %add3A_409 = arith.addf %add3A_387, %mul3A_408 : vector<16xf32>
    %get3A_410 = arith.constant 880 : index
    %get3A_411 = tpu.vector_load %arg13[%get3A_410] {strides = array<i32>} : memref<2192xf32, #tpu.memory_space<vmem>>, vector<16xf32>,
    %mul3A_412 = vector.broadcast %squeeze3A_394 : f32 to vector<16xf32>
    %mul3A_413 = arith.mulf %get3A_411, %mul3A_412 : vector<16xf32>
    %add3A_414 = arith.addf %add3A_392, %mul3A_413 : vector<16xf32>
    %slice3A_415 = vector.extract_strided_slice %get3A_106 {offsets = [14], sizes = [1], strides = [1]} : vector<16xf32> to vector<1xf32>
    %squeeze3A_416 = vector.extract %slice3A_415[0] : f32 from vector<1xf32>
    %get3A_417 = arith.constant 896 : index
    %get3A_418 = tpu.vector_load %arg13[%get3A_417] {strides = array<i32>} : memref<2192xf32, #tpu.memory_space<vmem>>, vector<16xf32>,
    %mul3A_419 = vector.broadcast %squeeze3A_416 : f32 to vector<16xf32>
    %mul3A_420 = arith.mulf %get3A_418, %mul3A_419 : vector<16xf32>
    %add3A_421 = arith.addf %add3A_399, %mul3A_420 : vector<16xf32>
    %get3A_422 = arith.constant 912 : index
    %get3A_423 = tpu.vector_load %arg13[%get3A_422] {strides = array<i32>} : memref<2192xf32, #tpu.memory_space<vmem>>, vector<16xf32>,
    %mul3A_424 = vector.broadcast %squeeze3A_416 : f32 to vector<16xf32>
    %mul3A_425 = arith.mulf %get3A_423, %mul3A_424 : vector<16xf32>
    %add3A_426 = arith.addf %add3A_404, %mul3A_425 : vector<16xf32>
    %get3A_427 = arith.constant 928 : index
    %get3A_428 = tpu.vector_load %arg13[%get3A_427] {strides = array<i32>} : memref<2192xf32, #tpu.memory_space<vmem>>, vector<16xf32>,
    %mul3A_429 = vector.broadcast %squeeze3A_416 : f32 to vector<16xf32>
    %mul3A_430 = arith.mulf %get3A_428, %mul3A_429 : vector<16xf32>
    %add3A_431 = arith.addf %add3A_409, %mul3A_430 : vector<16xf32>
    %get3A_432 = arith.constant 944 : index
    %get3A_433 = tpu.vector_load %arg13[%get3A_432] {strides = array<i32>} : memref<2192xf32, #tpu.memory_space<vmem>>, vector<16xf32>,
    %mul3A_434 = vector.broadcast %squeeze3A_416 : f32 to vector<16xf32>
    %mul3A_435 = arith.mulf %get3A_433, %mul3A_434 : vector<16xf32>
    %add3A_436 = arith.addf %add3A_414, %mul3A_435 : vector<16xf32>
    %slice3A_437 = vector.extract_strided_slice %get3A_106 {offsets = [15], sizes = [1], strides = [1]} : vector<16xf32> to vector<1xf32>
    %squeeze3A_438 = vector.extract %slice3A_437[0] : f32 from vector<1xf32>
    %get3A_439 = arith.constant 960 : index
    %get3A_440 = tpu.vector_load %arg13[%get3A_439] {strides = array<i32>} : memref<2192xf32, #tpu.memory_space<vmem>>, vector<16xf32>,
    %mul3A_441 = vector.broadcast %squeeze3A_438 : f32 to vector<16xf32>
    %mul3A_442 = arith.mulf %get3A_440, %mul3A_441 : vector<16xf32>
    %add3A_443 = arith.addf %add3A_421, %mul3A_442 : vector<16xf32>
    %get3A_444 = arith.constant 976 : index
    %get3A_445 = tpu.vector_load %arg13[%get3A_444] {strides = array<i32>} : memref<2192xf32, #tpu.memory_space<vmem>>, vector<16xf32>,
    %mul3A_446 = vector.broadcast %squeeze3A_438 : f32 to vector<16xf32>
    %mul3A_447 = arith.mulf %get3A_445, %mul3A_446 : vector<16xf32>
    %add3A_448 = arith.addf %add3A_426, %mul3A_447 : vector<16xf32>
    %get3A_449 = arith.constant 992 : index
    %get3A_450 = tpu.vector_load %arg13[%get3A_449] {strides = array<i32>} : memref<2192xf32, #tpu.memory_space<vmem>>, vector<16xf32>,
    %mul3A_451 = vector.broadcast %squeeze3A_438 : f32 to vector<16xf32>
    %mul3A_452 = arith.mulf %get3A_450, %mul3A_451 : vector<16xf32>
    %add3A_453 = arith.addf %add3A_431, %mul3A_452 : vector<16xf32>
    %get3A_454 = arith.constant 1008 : index
    %get3A_455 = tpu.vector_load %arg13[%get3A_454] {strides = array<i32>} : memref<2192xf32, #tpu.memory_space<vmem>>, vector<16xf32>,
    %mul3A_456 = vector.broadcast %squeeze3A_438 : f32 to vector<16xf32>
    %mul3A_457 = arith.mulf %get3A_455, %mul3A_456 : vector<16xf32>
    %add3A_458 = arith.addf %add3A_436, %mul3A_457 : vector<16xf32>
    %slice3A_459 = vector.extract_strided_slice %get3A_108 {offsets = [0], sizes = [1], strides = [1]} : vector<16xf32> to vector<1xf32>
    %squeeze3A_460 = vector.extract %slice3A_459[0] : f32 from vector<1xf32>
    %get3A_461 = arith.constant 1024 : index
    %get3A_462 = tpu.vector_load %arg13[%get3A_461] {strides = array<i32>} : memref<2192xf32, #tpu.memory_space<vmem>>, vector<16xf32>,
    %mul3A_463 = vector.broadcast %squeeze3A_460 : f32 to vector<16xf32>
    %mul3A_464 = arith.mulf %get3A_462, %mul3A_463 : vector<16xf32>
    %add3A_465 = arith.addf %add3A_443, %mul3A_464 : vector<16xf32>
    %get3A_466 = arith.constant 1040 : index
    %get3A_467 = tpu.vector_load %arg13[%get3A_466] {strides = array<i32>} : memref<2192xf32, #tpu.memory_space<vmem>>, vector<16xf32>,
    %mul3A_468 = vector.broadcast %squeeze3A_460 : f32 to vector<16xf32>
    %mul3A_469 = arith.mulf %get3A_467, %mul3A_468 : vector<16xf32>
    %add3A_470 = arith.addf %add3A_448, %mul3A_469 : vector<16xf32>
    %get3A_471 = arith.constant 1056 : index
    %get3A_472 = tpu.vector_load %arg13[%get3A_471] {strides = array<i32>} : memref<2192xf32, #tpu.memory_space<vmem>>, vector<16xf32>,
    %mul3A_473 = vector.broadcast %squeeze3A_460 : f32 to vector<16xf32>
    %mul3A_474 = arith.mulf %get3A_472, %mul3A_473 : vector<16xf32>
    %add3A_475 = arith.addf %add3A_453, %mul3A_474 : vector<16xf32>
    %get3A_476 = arith.constant 1072 : index
    %get3A_477 = tpu.vector_load %arg13[%get3A_476] {strides = array<i32>} : memref<2192xf32, #tpu.memory_space<vmem>>, vector<16xf32>,
    %mul3A_478 = vector.broadcast %squeeze3A_460 : f32 to vector<16xf32>
    %mul3A_479 = arith.mulf %get3A_477, %mul3A_478 : vector<16xf32>
    %add3A_480 = arith.addf %add3A_458, %mul3A_479 : vector<16xf32>
    %slice3A_481 = vector.extract_strided_slice %get3A_108 {offsets = [1], sizes = [1], strides = [1]} : vector<16xf32> to vector<1xf32>
    %squeeze3A_482 = vector.extract %slice3A_481[0] : f32 from vector<1xf32>
    %get3A_483 = arith.constant 1088 : index
    %get3A_484 = tpu.vector_load %arg13[%get3A_483] {strides = array<i32>} : memref<2192xf32, #tpu.memory_space<vmem>>, vector<16xf32>,
    %mul3A_485 = vector.broadcast %squeeze3A_482 : f32 to vector<16xf32>
    %mul3A_486 = arith.mulf %get3A_484, %mul3A_485 : vector<16xf32>
    %add3A_487 = arith.addf %add3A_465, %mul3A_486 : vector<16xf32>
    %get3A_488 = arith.constant 1104 : index
    %get3A_489 = tpu.vector_load %arg13[%get3A_488] {strides = array<i32>} : memref<2192xf32, #tpu.memory_space<vmem>>, vector<16xf32>,
    %mul3A_490 = vector.broadcast %squeeze3A_482 : f32 to vector<16xf32>
    %mul3A_491 = arith.mulf %get3A_489, %mul3A_490 : vector<16xf32>
    %add3A_492 = arith.addf %add3A_470, %mul3A_491 : vector<16xf32>
    %get3A_493 = arith.constant 1120 : index
    %get3A_494 = tpu.vector_load %arg13[%get3A_493] {strides = array<i32>} : memref<2192xf32, #tpu.memory_space<vmem>>, vector<16xf32>,
    %mul3A_495 = vector.broadcast %squeeze3A_482 : f32 to vector<16xf32>
    %mul3A_496 = arith.mulf %get3A_494, %mul3A_495 : vector<16xf32>
    %add3A_497 = arith.addf %add3A_475, %mul3A_496 : vector<16xf32>
    %get3A_498 = arith.constant 1136 : index
    %get3A_499 = tpu.vector_load %arg13[%get3A_498] {strides = array<i32>} : memref<2192xf32, #tpu.memory_space<vmem>>, vector<16xf32>,
    %mul3A_500 = vector.broadcast %squeeze3A_482 : f32 to vector<16xf32>
    %mul3A_501 = arith.mulf %get3A_499, %mul3A_500 : vector<16xf32>
    %add3A_502 = arith.addf %add3A_480, %mul3A_501 : vector<16xf32>
    %slice3A_503 = vector.extract_strided_slice %get3A_108 {offsets = [2], sizes = [1], strides = [1]} : vector<16xf32> to vector<1xf32>
    %squeeze3A_504 = vector.extract %slice3A_503[0] : f32 from vector<1xf32>
    %get3A_505 = arith.constant 1152 : index
    %get3A_506 = tpu.vector_load %arg13[%get3A_505] {strides = array<i32>} : memref<2192xf32, #tpu.memory_space<vmem>>, vector<16xf32>,
    %mul3A_507 = vector.broadcast %squeeze3A_504 : f32 to vector<16xf32>
    %mul3A_508 = arith.mulf %get3A_506, %mul3A_507 : vector<16xf32>
    %add3A_509 = arith.addf %add3A_487, %mul3A_508 : vector<16xf32>
    %get3A_510 = arith.constant 1168 : index
    %get3A_511 = tpu.vector_load %arg13[%get3A_510] {strides = array<i32>} : memref<2192xf32, #tpu.memory_space<vmem>>, vector<16xf32>,
    %mul3A_512 = vector.broadcast %squeeze3A_504 : f32 to vector<16xf32>
    %mul3A_513 = arith.mulf %get3A_511, %mul3A_512 : vector<16xf32>
    %add3A_514 = arith.addf %add3A_492, %mul3A_513 : vector<16xf32>
    %get3A_515 = arith.constant 1184 : index
    %get3A_516 = tpu.vector_load %arg13[%get3A_515] {strides = array<i32>} : memref<2192xf32, #tpu.memory_space<vmem>>, vector<16xf32>,
    %mul3A_517 = vector.broadcast %squeeze3A_504 : f32 to vector<16xf32>
    %mul3A_518 = arith.mulf %get3A_516, %mul3A_517 : vector<16xf32>
    %add3A_519 = arith.addf %add3A_497, %mul3A_518 : vector<16xf32>
    %get3A_520 = arith.constant 1200 : index
    %get3A_521 = tpu.vector_load %arg13[%get3A_520] {strides = array<i32>} : memref<2192xf32, #tpu.memory_space<vmem>>, vector<16xf32>,
    %mul3A_522 = vector.broadcast %squeeze3A_504 : f32 to vector<16xf32>
    %mul3A_523 = arith.mulf %get3A_521, %mul3A_522 : vector<16xf32>
    %add3A_524 = arith.addf %add3A_502, %mul3A_523 : vector<16xf32>
    %slice3A_525 = vector.extract_strided_slice %get3A_108 {offsets = [3], sizes = [1], strides = [1]} : vector<16xf32> to vector<1xf32>
    %squeeze3A_526 = vector.extract %slice3A_525[0] : f32 from vector<1xf32>
    %get3A_527 = arith.constant 1216 : index
    %get3A_528 = tpu.vector_load %arg13[%get3A_527] {strides = array<i32>} : memref<2192xf32, #tpu.memory_space<vmem>>, vector<16xf32>,
    %mul3A_529 = vector.broadcast %squeeze3A_526 : f32 to vector<16xf32>
    %mul3A_530 = arith.mulf %get3A_528, %mul3A_529 : vector<16xf32>
    %add3A_531 = arith.addf %add3A_509, %mul3A_530 : vector<16xf32>
    %get3A_532 = arith.constant 1232 : index
    %get3A_533 = tpu.vector_load %arg13[%get3A_532] {strides = array<i32>} : memref<2192xf32, #tpu.memory_space<vmem>>, vector<16xf32>,
    %mul3A_534 = vector.broadcast %squeeze3A_526 : f32 to vector<16xf32>
    %mul3A_535 = arith.mulf %get3A_533, %mul3A_534 : vector<16xf32>
    %add3A_536 = arith.addf %add3A_514, %mul3A_535 : vector<16xf32>
    %get3A_537 = arith.constant 1248 : index
    %get3A_538 = tpu.vector_load %arg13[%get3A_537] {strides = array<i32>} : memref<2192xf32, #tpu.memory_space<vmem>>, vector<16xf32>,
    %mul3A_539 = vector.broadcast %squeeze3A_526 : f32 to vector<16xf32>
    %mul3A_540 = arith.mulf %get3A_538, %mul3A_539 : vector<16xf32>
    %add3A_541 = arith.addf %add3A_519, %mul3A_540 : vector<16xf32>
    %get3A_542 = arith.constant 1264 : index
    %get3A_543 = tpu.vector_load %arg13[%get3A_542] {strides = array<i32>} : memref<2192xf32, #tpu.memory_space<vmem>>, vector<16xf32>,
    %mul3A_544 = vector.broadcast %squeeze3A_526 : f32 to vector<16xf32>
    %mul3A_545 = arith.mulf %get3A_543, %mul3A_544 : vector<16xf32>
    %add3A_546 = arith.addf %add3A_524, %mul3A_545 : vector<16xf32>
    %slice3A_547 = vector.extract_strided_slice %get3A_108 {offsets = [4], sizes = [1], strides = [1]} : vector<16xf32> to vector<1xf32>
    %squeeze3A_548 = vector.extract %slice3A_547[0] : f32 from vector<1xf32>
    %get3A_549 = arith.constant 1280 : index
    %get3A_550 = tpu.vector_load %arg13[%get3A_549] {strides = array<i32>} : memref<2192xf32, #tpu.memory_space<vmem>>, vector<16xf32>,
    %mul3A_551 = vector.broadcast %squeeze3A_548 : f32 to vector<16xf32>
    %mul3A_552 = arith.mulf %get3A_550, %mul3A_551 : vector<16xf32>
    %add3A_553 = arith.addf %add3A_531, %mul3A_552 : vector<16xf32>
    %get3A_554 = arith.constant 1296 : index
    %get3A_555 = tpu.vector_load %arg13[%get3A_554] {strides = array<i32>} : memref<2192xf32, #tpu.memory_space<vmem>>, vector<16xf32>,
    %mul3A_556 = vector.broadcast %squeeze3A_548 : f32 to vector<16xf32>
    %mul3A_557 = arith.mulf %get3A_555, %mul3A_556 : vector<16xf32>
    %add3A_558 = arith.addf %add3A_536, %mul3A_557 : vector<16xf32>
    %get3A_559 = arith.constant 1312 : index
    %get3A_560 = tpu.vector_load %arg13[%get3A_559] {strides = array<i32>} : memref<2192xf32, #tpu.memory_space<vmem>>, vector<16xf32>,
    %mul3A_561 = vector.broadcast %squeeze3A_548 : f32 to vector<16xf32>
    %mul3A_562 = arith.mulf %get3A_560, %mul3A_561 : vector<16xf32>
    %add3A_563 = arith.addf %add3A_541, %mul3A_562 : vector<16xf32>
    %get3A_564 = arith.constant 1328 : index
    %get3A_565 = tpu.vector_load %arg13[%get3A_564] {strides = array<i32>} : memref<2192xf32, #tpu.memory_space<vmem>>, vector<16xf32>,
    %mul3A_566 = vector.broadcast %squeeze3A_548 : f32 to vector<16xf32>
    %mul3A_567 = arith.mulf %get3A_565, %mul3A_566 : vector<16xf32>
    %add3A_568 = arith.addf %add3A_546, %mul3A_567 : vector<16xf32>
    %slice3A_569 = vector.extract_strided_slice %get3A_108 {offsets = [5], sizes = [1], strides = [1]} : vector<16xf32> to vector<1xf32>
    %squeeze3A_570 = vector.extract %slice3A_569[0] : f32 from vector<1xf32>
    %get3A_571 = arith.constant 1344 : index
    %get3A_572 = tpu.vector_load %arg13[%get3A_571] {strides = array<i32>} : memref<2192xf32, #tpu.memory_space<vmem>>, vector<16xf32>,
    %mul3A_573 = vector.broadcast %squeeze3A_570 : f32 to vector<16xf32>
    %mul3A_574 = arith.mulf %get3A_572, %mul3A_573 : vector<16xf32>
    %add3A_575 = arith.addf %add3A_553, %mul3A_574 : vector<16xf32>
    %get3A_576 = arith.constant 1360 : index
    %get3A_577 = tpu.vector_load %arg13[%get3A_576] {strides = array<i32>} : memref<2192xf32, #tpu.memory_space<vmem>>, vector<16xf32>,
    %mul3A_578 = vector.broadcast %squeeze3A_570 : f32 to vector<16xf32>
    %mul3A_579 = arith.mulf %get3A_577, %mul3A_578 : vector<16xf32>
    %add3A_580 = arith.addf %add3A_558, %mul3A_579 : vector<16xf32>
    %get3A_581 = arith.constant 1376 : index
    %get3A_582 = tpu.vector_load %arg13[%get3A_581] {strides = array<i32>} : memref<2192xf32, #tpu.memory_space<vmem>>, vector<16xf32>,
    %mul3A_583 = vector.broadcast %squeeze3A_570 : f32 to vector<16xf32>
    %mul3A_584 = arith.mulf %get3A_582, %mul3A_583 : vector<16xf32>
    %add3A_585 = arith.addf %add3A_563, %mul3A_584 : vector<16xf32>
    %get3A_586 = arith.constant 1392 : index
    %get3A_587 = tpu.vector_load %arg13[%get3A_586] {strides = array<i32>} : memref<2192xf32, #tpu.memory_space<vmem>>, vector<16xf32>,
    %mul3A_588 = vector.broadcast %squeeze3A_570 : f32 to vector<16xf32>
    %mul3A_589 = arith.mulf %get3A_587, %mul3A_588 : vector<16xf32>
    %add3A_590 = arith.addf %add3A_568, %mul3A_589 : vector<16xf32>
    %slice3A_591 = vector.extract_strided_slice %get3A_108 {offsets = [6], sizes = [1], strides = [1]} : vector<16xf32> to vector<1xf32>
    %squeeze3A_592 = vector.extract %slice3A_591[0] : f32 from vector<1xf32>
    %get3A_593 = arith.constant 1408 : index
    %get3A_594 = tpu.vector_load %arg13[%get3A_593] {strides = array<i32>} : memref<2192xf32, #tpu.memory_space<vmem>>, vector<16xf32>,
    %mul3A_595 = vector.broadcast %squeeze3A_592 : f32 to vector<16xf32>
    %mul3A_596 = arith.mulf %get3A_594, %mul3A_595 : vector<16xf32>
    %add3A_597 = arith.addf %add3A_575, %mul3A_596 : vector<16xf32>
    %get3A_598 = arith.constant 1424 : index
    %get3A_599 = tpu.vector_load %arg13[%get3A_598] {strides = array<i32>} : memref<2192xf32, #tpu.memory_space<vmem>>, vector<16xf32>,
    %mul3A_600 = vector.broadcast %squeeze3A_592 : f32 to vector<16xf32>
    %mul3A_601 = arith.mulf %get3A_599, %mul3A_600 : vector<16xf32>
    %add3A_602 = arith.addf %add3A_580, %mul3A_601 : vector<16xf32>
    %get3A_603 = arith.constant 1440 : index
    %get3A_604 = tpu.vector_load %arg13[%get3A_603] {strides = array<i32>} : memref<2192xf32, #tpu.memory_space<vmem>>, vector<16xf32>,
    %mul3A_605 = vector.broadcast %squeeze3A_592 : f32 to vector<16xf32>
    %mul3A_606 = arith.mulf %get3A_604, %mul3A_605 : vector<16xf32>
    %add3A_607 = arith.addf %add3A_585, %mul3A_606 : vector<16xf32>
    %get3A_608 = arith.constant 1456 : index
    %get3A_609 = tpu.vector_load %arg13[%get3A_608] {strides = array<i32>} : memref<2192xf32, #tpu.memory_space<vmem>>, vector<16xf32>,
    %mul3A_610 = vector.broadcast %squeeze3A_592 : f32 to vector<16xf32>
    %mul3A_611 = arith.mulf %get3A_609, %mul3A_610 : vector<16xf32>
    %add3A_612 = arith.addf %add3A_590, %mul3A_611 : vector<16xf32>
    %slice3A_613 = vector.extract_strided_slice %get3A_108 {offsets = [7], sizes = [1], strides = [1]} : vector<16xf32> to vector<1xf32>
    %squeeze3A_614 = vector.extract %slice3A_613[0] : f32 from vector<1xf32>
    %get3A_615 = arith.constant 1472 : index
    %get3A_616 = tpu.vector_load %arg13[%get3A_615] {strides = array<i32>} : memref<2192xf32, #tpu.memory_space<vmem>>, vector<16xf32>,
    %mul3A_617 = vector.broadcast %squeeze3A_614 : f32 to vector<16xf32>
    %mul3A_618 = arith.mulf %get3A_616, %mul3A_617 : vector<16xf32>
    %add3A_619 = arith.addf %add3A_597, %mul3A_618 : vector<16xf32>
    %get3A_620 = arith.constant 1488 : index
    %get3A_621 = tpu.vector_load %arg13[%get3A_620] {strides = array<i32>} : memref<2192xf32, #tpu.memory_space<vmem>>, vector<16xf32>,
    %mul3A_622 = vector.broadcast %squeeze3A_614 : f32 to vector<16xf32>
    %mul3A_623 = arith.mulf %get3A_621, %mul3A_622 : vector<16xf32>
    %add3A_624 = arith.addf %add3A_602, %mul3A_623 : vector<16xf32>
    %get3A_625 = arith.constant 1504 : index
    %get3A_626 = tpu.vector_load %arg13[%get3A_625] {strides = array<i32>} : memref<2192xf32, #tpu.memory_space<vmem>>, vector<16xf32>,
    %mul3A_627 = vector.broadcast %squeeze3A_614 : f32 to vector<16xf32>
    %mul3A_628 = arith.mulf %get3A_626, %mul3A_627 : vector<16xf32>
    %add3A_629 = arith.addf %add3A_607, %mul3A_628 : vector<16xf32>
    %get3A_630 = arith.constant 1520 : index
    %get3A_631 = tpu.vector_load %arg13[%get3A_630] {strides = array<i32>} : memref<2192xf32, #tpu.memory_space<vmem>>, vector<16xf32>,
    %mul3A_632 = vector.broadcast %squeeze3A_614 : f32 to vector<16xf32>
    %mul3A_633 = arith.mulf %get3A_631, %mul3A_632 : vector<16xf32>
    %add3A_634 = arith.addf %add3A_612, %mul3A_633 : vector<16xf32>
    %slice3A_635 = vector.extract_strided_slice %get3A_108 {offsets = [8], sizes = [1], strides = [1]} : vector<16xf32> to vector<1xf32>
    %squeeze3A_636 = vector.extract %slice3A_635[0] : f32 from vector<1xf32>
    %get3A_637 = arith.constant 1536 : index
    %get3A_638 = tpu.vector_load %arg13[%get3A_637] {strides = array<i32>} : memref<2192xf32, #tpu.memory_space<vmem>>, vector<16xf32>,
    %mul3A_639 = vector.broadcast %squeeze3A_636 : f32 to vector<16xf32>
    %mul3A_640 = arith.mulf %get3A_638, %mul3A_639 : vector<16xf32>
    %add3A_641 = arith.addf %add3A_619, %mul3A_640 : vector<16xf32>
    %get3A_642 = arith.constant 1552 : index
    %get3A_643 = tpu.vector_load %arg13[%get3A_642] {strides = array<i32>} : memref<2192xf32, #tpu.memory_space<vmem>>, vector<16xf32>,
    %mul3A_644 = vector.broadcast %squeeze3A_636 : f32 to vector<16xf32>
    %mul3A_645 = arith.mulf %get3A_643, %mul3A_644 : vector<16xf32>
    %add3A_646 = arith.addf %add3A_624, %mul3A_645 : vector<16xf32>
    %get3A_647 = arith.constant 1568 : index
    %get3A_648 = tpu.vector_load %arg13[%get3A_647] {strides = array<i32>} : memref<2192xf32, #tpu.memory_space<vmem>>, vector<16xf32>,
    %mul3A_649 = vector.broadcast %squeeze3A_636 : f32 to vector<16xf32>
    %mul3A_650 = arith.mulf %get3A_648, %mul3A_649 : vector<16xf32>
    %add3A_651 = arith.addf %add3A_629, %mul3A_650 : vector<16xf32>
    %get3A_652 = arith.constant 1584 : index
    %get3A_653 = tpu.vector_load %arg13[%get3A_652] {strides = array<i32>} : memref<2192xf32, #tpu.memory_space<vmem>>, vector<16xf32>,
    %mul3A_654 = vector.broadcast %squeeze3A_636 : f32 to vector<16xf32>
    %mul3A_655 = arith.mulf %get3A_653, %mul3A_654 : vector<16xf32>
    %add3A_656 = arith.addf %add3A_634, %mul3A_655 : vector<16xf32>
    %slice3A_657 = vector.extract_strided_slice %get3A_108 {offsets = [9], sizes = [1], strides = [1]} : vector<16xf32> to vector<1xf32>
    %squeeze3A_658 = vector.extract %slice3A_657[0] : f32 from vector<1xf32>
    %get3A_659 = arith.constant 1600 : index
    %get3A_660 = tpu.vector_load %arg13[%get3A_659] {strides = array<i32>} : memref<2192xf32, #tpu.memory_space<vmem>>, vector<16xf32>,
    %mul3A_661 = vector.broadcast %squeeze3A_658 : f32 to vector<16xf32>
    %mul3A_662 = arith.mulf %get3A_660, %mul3A_661 : vector<16xf32>
    %add3A_663 = arith.addf %add3A_641, %mul3A_662 : vector<16xf32>
    %get3A_664 = arith.constant 1616 : index
    %get3A_665 = tpu.vector_load %arg13[%get3A_664] {strides = array<i32>} : memref<2192xf32, #tpu.memory_space<vmem>>, vector<16xf32>,
    %mul3A_666 = vector.broadcast %squeeze3A_658 : f32 to vector<16xf32>
    %mul3A_667 = arith.mulf %get3A_665, %mul3A_666 : vector<16xf32>
    %add3A_668 = arith.addf %add3A_646, %mul3A_667 : vector<16xf32>
    %get3A_669 = arith.constant 1632 : index
    %get3A_670 = tpu.vector_load %arg13[%get3A_669] {strides = array<i32>} : memref<2192xf32, #tpu.memory_space<vmem>>, vector<16xf32>,
    %mul3A_671 = vector.broadcast %squeeze3A_658 : f32 to vector<16xf32>
    %mul3A_672 = arith.mulf %get3A_670, %mul3A_671 : vector<16xf32>
    %add3A_673 = arith.addf %add3A_651, %mul3A_672 : vector<16xf32>
    %get3A_674 = arith.constant 1648 : index
    %get3A_675 = tpu.vector_load %arg13[%get3A_674] {strides = array<i32>} : memref<2192xf32, #tpu.memory_space<vmem>>, vector<16xf32>,
    %mul3A_676 = vector.broadcast %squeeze3A_658 : f32 to vector<16xf32>
    %mul3A_677 = arith.mulf %get3A_675, %mul3A_676 : vector<16xf32>
    %add3A_678 = arith.addf %add3A_656, %mul3A_677 : vector<16xf32>
    %slice3A_679 = vector.extract_strided_slice %get3A_108 {offsets = [10], sizes = [1], strides = [1]} : vector<16xf32> to vector<1xf32>
    %squeeze3A_680 = vector.extract %slice3A_679[0] : f32 from vector<1xf32>
    %get3A_681 = arith.constant 1664 : index
    %get3A_682 = tpu.vector_load %arg13[%get3A_681] {strides = array<i32>} : memref<2192xf32, #tpu.memory_space<vmem>>, vector<16xf32>,
    %mul3A_683 = vector.broadcast %squeeze3A_680 : f32 to vector<16xf32>
    %mul3A_684 = arith.mulf %get3A_682, %mul3A_683 : vector<16xf32>
    %add3A_685 = arith.addf %add3A_663, %mul3A_684 : vector<16xf32>
    %get3A_686 = arith.constant 1680 : index
    %get3A_687 = tpu.vector_load %arg13[%get3A_686] {strides = array<i32>} : memref<2192xf32, #tpu.memory_space<vmem>>, vector<16xf32>,
    %mul3A_688 = vector.broadcast %squeeze3A_680 : f32 to vector<16xf32>
    %mul3A_689 = arith.mulf %get3A_687, %mul3A_688 : vector<16xf32>
    %add3A_690 = arith.addf %add3A_668, %mul3A_689 : vector<16xf32>
    %get3A_691 = arith.constant 1696 : index
    %get3A_692 = tpu.vector_load %arg13[%get3A_691] {strides = array<i32>} : memref<2192xf32, #tpu.memory_space<vmem>>, vector<16xf32>,
    %mul3A_693 = vector.broadcast %squeeze3A_680 : f32 to vector<16xf32>
    %mul3A_694 = arith.mulf %get3A_692, %mul3A_693 : vector<16xf32>
    %add3A_695 = arith.addf %add3A_673, %mul3A_694 : vector<16xf32>
    %get3A_696 = arith.constant 1712 : index
    %get3A_697 = tpu.vector_load %arg13[%get3A_696] {strides = array<i32>} : memref<2192xf32, #tpu.memory_space<vmem>>, vector<16xf32>,
    %mul3A_698 = vector.broadcast %squeeze3A_680 : f32 to vector<16xf32>
    %mul3A_699 = arith.mulf %get3A_697, %mul3A_698 : vector<16xf32>
    %add3A_700 = arith.addf %add3A_678, %mul3A_699 : vector<16xf32>
    %slice3A_701 = vector.extract_strided_slice %get3A_108 {offsets = [11], sizes = [1], strides = [1]} : vector<16xf32> to vector<1xf32>
    %squeeze3A_702 = vector.extract %slice3A_701[0] : f32 from vector<1xf32>
    %get3A_703 = arith.constant 1728 : index
    %get3A_704 = tpu.vector_load %arg13[%get3A_703] {strides = array<i32>} : memref<2192xf32, #tpu.memory_space<vmem>>, vector<16xf32>,
    %mul3A_705 = vector.broadcast %squeeze3A_702 : f32 to vector<16xf32>
    %mul3A_706 = arith.mulf %get3A_704, %mul3A_705 : vector<16xf32>
    %add3A_707 = arith.addf %add3A_685, %mul3A_706 : vector<16xf32>
    %get3A_708 = arith.constant 1744 : index
    %get3A_709 = tpu.vector_load %arg13[%get3A_708] {strides = array<i32>} : memref<2192xf32, #tpu.memory_space<vmem>>, vector<16xf32>,
    %mul3A_710 = vector.broadcast %squeeze3A_702 : f32 to vector<16xf32>
    %mul3A_711 = arith.mulf %get3A_709, %mul3A_710 : vector<16xf32>
    %add3A_712 = arith.addf %add3A_690, %mul3A_711 : vector<16xf32>
    %get3A_713 = arith.constant 1760 : index
    %get3A_714 = tpu.vector_load %arg13[%get3A_713] {strides = array<i32>} : memref<2192xf32, #tpu.memory_space<vmem>>, vector<16xf32>,
    %mul3A_715 = vector.broadcast %squeeze3A_702 : f32 to vector<16xf32>
    %mul3A_716 = arith.mulf %get3A_714, %mul3A_715 : vector<16xf32>
    %add3A_717 = arith.addf %add3A_695, %mul3A_716 : vector<16xf32>
    %get3A_718 = arith.constant 1776 : index
    %get3A_719 = tpu.vector_load %arg13[%get3A_718] {strides = array<i32>} : memref<2192xf32, #tpu.memory_space<vmem>>, vector<16xf32>,
    %mul3A_720 = vector.broadcast %squeeze3A_702 : f32 to vector<16xf32>
    %mul3A_721 = arith.mulf %get3A_719, %mul3A_720 : vector<16xf32>
    %add3A_722 = arith.addf %add3A_700, %mul3A_721 : vector<16xf32>
    %slice3A_723 = vector.extract_strided_slice %get3A_108 {offsets = [12], sizes = [1], strides = [1]} : vector<16xf32> to vector<1xf32>
    %squeeze3A_724 = vector.extract %slice3A_723[0] : f32 from vector<1xf32>
    %get3A_725 = arith.constant 1792 : index
    %get3A_726 = tpu.vector_load %arg13[%get3A_725] {strides = array<i32>} : memref<2192xf32, #tpu.memory_space<vmem>>, vector<16xf32>,
    %mul3A_727 = vector.broadcast %squeeze3A_724 : f32 to vector<16xf32>
    %mul3A_728 = arith.mulf %get3A_726, %mul3A_727 : vector<16xf32>
    %add3A_729 = arith.addf %add3A_707, %mul3A_728 : vector<16xf32>
    %get3A_730 = arith.constant 1808 : index
    %get3A_731 = tpu.vector_load %arg13[%get3A_730] {strides = array<i32>} : memref<2192xf32, #tpu.memory_space<vmem>>, vector<16xf32>,
    %mul3A_732 = vector.broadcast %squeeze3A_724 : f32 to vector<16xf32>
    %mul3A_733 = arith.mulf %get3A_731, %mul3A_732 : vector<16xf32>
    %add3A_734 = arith.addf %add3A_712, %mul3A_733 : vector<16xf32>
    %get3A_735 = arith.constant 1824 : index
    %get3A_736 = tpu.vector_load %arg13[%get3A_735] {strides = array<i32>} : memref<2192xf32, #tpu.memory_space<vmem>>, vector<16xf32>,
    %mul3A_737 = vector.broadcast %squeeze3A_724 : f32 to vector<16xf32>
    %mul3A_738 = arith.mulf %get3A_736, %mul3A_737 : vector<16xf32>
    %add3A_739 = arith.addf %add3A_717, %mul3A_738 : vector<16xf32>
    %get3A_740 = arith.constant 1840 : index
    %get3A_741 = tpu.vector_load %arg13[%get3A_740] {strides = array<i32>} : memref<2192xf32, #tpu.memory_space<vmem>>, vector<16xf32>,
    %mul3A_742 = vector.broadcast %squeeze3A_724 : f32 to vector<16xf32>
    %mul3A_743 = arith.mulf %get3A_741, %mul3A_742 : vector<16xf32>
    %add3A_744 = arith.addf %add3A_722, %mul3A_743 : vector<16xf32>
    %slice3A_745 = vector.extract_strided_slice %get3A_108 {offsets = [13], sizes = [1], strides = [1]} : vector<16xf32> to vector<1xf32>
    %squeeze3A_746 = vector.extract %slice3A_745[0] : f32 from vector<1xf32>
    %get3A_747 = arith.constant 1856 : index
    %get3A_748 = tpu.vector_load %arg13[%get3A_747] {strides = array<i32>} : memref<2192xf32, #tpu.memory_space<vmem>>, vector<16xf32>,
    %mul3A_749 = vector.broadcast %squeeze3A_746 : f32 to vector<16xf32>
    %mul3A_750 = arith.mulf %get3A_748, %mul3A_749 : vector<16xf32>
    %add3A_751 = arith.addf %add3A_729, %mul3A_750 : vector<16xf32>
    %get3A_752 = arith.constant 1872 : index
    %get3A_753 = tpu.vector_load %arg13[%get3A_752] {strides = array<i32>} : memref<2192xf32, #tpu.memory_space<vmem>>, vector<16xf32>,
    %mul3A_754 = vector.broadcast %squeeze3A_746 : f32 to vector<16xf32>
    %mul3A_755 = arith.mulf %get3A_753, %mul3A_754 : vector<16xf32>
    %add3A_756 = arith.addf %add3A_734, %mul3A_755 : vector<16xf32>
    %get3A_757 = arith.constant 1888 : index
    %get3A_758 = tpu.vector_load %arg13[%get3A_757] {strides = array<i32>} : memref<2192xf32, #tpu.memory_space<vmem>>, vector<16xf32>,
    %mul3A_759 = vector.broadcast %squeeze3A_746 : f32 to vector<16xf32>
    %mul3A_760 = arith.mulf %get3A_758, %mul3A_759 : vector<16xf32>
    %add3A_761 = arith.addf %add3A_739, %mul3A_760 : vector<16xf32>
    %get3A_762 = arith.constant 1904 : index
    %get3A_763 = tpu.vector_load %arg13[%get3A_762] {strides = array<i32>} : memref<2192xf32, #tpu.memory_space<vmem>>, vector<16xf32>,
    %mul3A_764 = vector.broadcast %squeeze3A_746 : f32 to vector<16xf32>
    %mul3A_765 = arith.mulf %get3A_763, %mul3A_764 : vector<16xf32>
    %add3A_766 = arith.addf %add3A_744, %mul3A_765 : vector<16xf32>
    %slice3A_767 = vector.extract_strided_slice %get3A_108 {offsets = [14], sizes = [1], strides = [1]} : vector<16xf32> to vector<1xf32>
    %squeeze3A_768 = vector.extract %slice3A_767[0] : f32 from vector<1xf32>
    %get3A_769 = arith.constant 1920 : index
    %get3A_770 = tpu.vector_load %arg13[%get3A_769] {strides = array<i32>} : memref<2192xf32, #tpu.memory_space<vmem>>, vector<16xf32>,
    %mul3A_771 = vector.broadcast %squeeze3A_768 : f32 to vector<16xf32>
    %mul3A_772 = arith.mulf %get3A_770, %mul3A_771 : vector<16xf32>
    %add3A_773 = arith.addf %add3A_751, %mul3A_772 : vector<16xf32>
    %get3A_774 = arith.constant 1936 : index
    %get3A_775 = tpu.vector_load %arg13[%get3A_774] {strides = array<i32>} : memref<2192xf32, #tpu.memory_space<vmem>>, vector<16xf32>,
    %mul3A_776 = vector.broadcast %squeeze3A_768 : f32 to vector<16xf32>
    %mul3A_777 = arith.mulf %get3A_775, %mul3A_776 : vector<16xf32>
    %add3A_778 = arith.addf %add3A_756, %mul3A_777 : vector<16xf32>
    %get3A_779 = arith.constant 1952 : index
    %get3A_780 = tpu.vector_load %arg13[%get3A_779] {strides = array<i32>} : memref<2192xf32, #tpu.memory_space<vmem>>, vector<16xf32>,
    %mul3A_781 = vector.broadcast %squeeze3A_768 : f32 to vector<16xf32>
    %mul3A_782 = arith.mulf %get3A_780, %mul3A_781 : vector<16xf32>
    %add3A_783 = arith.addf %add3A_761, %mul3A_782 : vector<16xf32>
    %get3A_784 = arith.constant 1968 : index
    %get3A_785 = tpu.vector_load %arg13[%get3A_784] {strides = array<i32>} : memref<2192xf32, #tpu.memory_space<vmem>>, vector<16xf32>,
    %mul3A_786 = vector.broadcast %squeeze3A_768 : f32 to vector<16xf32>
    %mul3A_787 = arith.mulf %get3A_785, %mul3A_786 : vector<16xf32>
    %add3A_788 = arith.addf %add3A_766, %mul3A_787 : vector<16xf32>
    %slice3A_789 = vector.extract_strided_slice %get3A_108 {offsets = [15], sizes = [1], strides = [1]} : vector<16xf32> to vector<1xf32>
    %squeeze3A_790 = vector.extract %slice3A_789[0] : f32 from vector<1xf32>
    %get3A_791 = arith.constant 1984 : index
    %get3A_792 = tpu.vector_load %arg13[%get3A_791] {strides = array<i32>} : memref<2192xf32, #tpu.memory_space<vmem>>, vector<16xf32>,
    %mul3A_793 = vector.broadcast %squeeze3A_790 : f32 to vector<16xf32>
    %mul3A_794 = arith.mulf %get3A_792, %mul3A_793 : vector<16xf32>
    %add3A_795 = arith.addf %add3A_773, %mul3A_794 : vector<16xf32>
    %get3A_796 = arith.constant 2000 : index
    %get3A_797 = tpu.vector_load %arg13[%get3A_796] {strides = array<i32>} : memref<2192xf32, #tpu.memory_space<vmem>>, vector<16xf32>,
    %mul3A_798 = vector.broadcast %squeeze3A_790 : f32 to vector<16xf32>
    %mul3A_799 = arith.mulf %get3A_797, %mul3A_798 : vector<16xf32>
    %add3A_800 = arith.addf %add3A_778, %mul3A_799 : vector<16xf32>
    %get3A_801 = arith.constant 2016 : index
    %get3A_802 = tpu.vector_load %arg13[%get3A_801] {strides = array<i32>} : memref<2192xf32, #tpu.memory_space<vmem>>, vector<16xf32>,
    %mul3A_803 = vector.broadcast %squeeze3A_790 : f32 to vector<16xf32>
    %mul3A_804 = arith.mulf %get3A_802, %mul3A_803 : vector<16xf32>
    %add3A_805 = arith.addf %add3A_783, %mul3A_804 : vector<16xf32>
    %get3A_806 = arith.constant 2032 : index
    %get3A_807 = tpu.vector_load %arg13[%get3A_806] {strides = array<i32>} : memref<2192xf32, #tpu.memory_space<vmem>>, vector<16xf32>,
    %mul3A_808 = vector.broadcast %squeeze3A_790 : f32 to vector<16xf32>
    %mul3A_809 = arith.mulf %get3A_807, %mul3A_808 : vector<16xf32>
    %add3A_810 = arith.addf %add3A_788, %mul3A_809 : vector<16xf32>
    %get3A_811 = arith.constant 0 : i32
    %get3A_812 = arith.index_cast %get3A_811 : i32 to index
    %get3A_813 = arith.constant 0 : index
    %get3A_814 = tpu.vector_load %arg14[%get3A_812, %get3A_813] {strides = array<i32>} : memref<16x64xf32, #tpu.memory_space<vmem>>, vector<16xf32>,
    %mul3A_815 = arith.mulf %get3A_814, %add3A_795 : vector<16xf32>
    %add3A_816 = arith.addf %broadcast_in_dim3A_105, %mul3A_815 : vector<16xf32>
    %get3A_817 = arith.constant 0 : i32
    %get3A_818 = arith.index_cast %get3A_817 : i32 to index
    %get3A_819 = arith.constant 16 : index
    %get3A_820 = tpu.vector_load %arg14[%get3A_818, %get3A_819] {strides = array<i32>} : memref<16x64xf32, #tpu.memory_space<vmem>>, vector<16xf32>,
    %mul3A_821 = arith.mulf %get3A_820, %add3A_800 : vector<16xf32>
    %add3A_822 = arith.addf %add3A_816, %mul3A_821 : vector<16xf32>
    %get3A_823 = arith.constant 0 : i32
    %get3A_824 = arith.index_cast %get3A_823 : i32 to index
    %get3A_825 = arith.constant 32 : index
    %get3A_826 = tpu.vector_load %arg14[%get3A_824, %get3A_825] {strides = array<i32>} : memref<16x64xf32, #tpu.memory_space<vmem>>, vector<16xf32>,
    %mul3A_827 = arith.mulf %get3A_826, %add3A_805 : vector<16xf32>
    %add3A_828 = arith.addf %add3A_822, %mul3A_827 : vector<16xf32>
    %get3A_829 = arith.constant 0 : i32
    %get3A_830 = arith.index_cast %get3A_829 : i32 to index
    %get3A_831 = arith.constant 48 : index
    %get3A_832 = tpu.vector_load %arg14[%get3A_830, %get3A_831] {strides = array<i32>} : memref<16x64xf32, #tpu.memory_space<vmem>>, vector<16xf32>,
    %mul3A_833 = arith.mulf %get3A_832, %add3A_810 : vector<16xf32>
    %add3A_834 = arith.addf %add3A_828, %mul3A_833 : vector<16xf32>
    %reduce_sum3A = arith.constant true
    %reduce_sum3A_835 = vector.broadcast %reduce_sum3A : i1 to vector<16xi1>
    %reduce_sum3A_836 = tpu.scan <sum>, %add3A_834 masked %reduce_sum3A_835 : vector<16xf32>, vector<16xi1> -> vector<16xf32>
    %reduce_sum3A_837 = vector.extract %reduce_sum3A_836[15] : f32 from vector<16xf32>
    %get3A_838 = arith.constant 1 : i32
    %get3A_839 = arith.index_cast %get3A_838 : i32 to index
    %get3A_840 = arith.constant 0 : index
    %get3A_841 = tpu.vector_load %arg14[%get3A_839, %get3A_840] {strides = array<i32>} : memref<16x64xf32, #tpu.memory_space<vmem>>, vector<16xf32>,
    %mul3A_842 = arith.mulf %get3A_841, %add3A_795 : vector<16xf32>
    %add3A_843 = arith.addf %broadcast_in_dim3A_105, %mul3A_842 : vector<16xf32>
    %get3A_844 = arith.constant 1 : i32
    %get3A_845 = arith.index_cast %get3A_844 : i32 to index
    %get3A_846 = arith.constant 16 : index
    %get3A_847 = tpu.vector_load %arg14[%get3A_845, %get3A_846] {strides = array<i32>} : memref<16x64xf32, #tpu.memory_space<vmem>>, vector<16xf32>,
    %mul3A_848 = arith.mulf %get3A_847, %add3A_800 : vector<16xf32>
    %add3A_849 = arith.addf %add3A_843, %mul3A_848 : vector<16xf32>
    %get3A_850 = arith.constant 1 : i32
    %get3A_851 = arith.index_cast %get3A_850 : i32 to index
    %get3A_852 = arith.constant 32 : index
    %get3A_853 = tpu.vector_load %arg14[%get3A_851, %get3A_852] {strides = array<i32>} : memref<16x64xf32, #tpu.memory_space<vmem>>, vector<16xf32>,
    %mul3A_854 = arith.mulf %get3A_853, %add3A_805 : vector<16xf32>
    %add3A_855 = arith.addf %add3A_849, %mul3A_854 : vector<16xf32>
    %get3A_856 = arith.constant 1 : i32
    %get3A_857 = arith.index_cast %get3A_856 : i32 to index
    %get3A_858 = arith.constant 48 : index
    %get3A_859 = tpu.vector_load %arg14[%get3A_857, %get3A_858] {strides = array<i32>} : memref<16x64xf32, #tpu.memory_space<vmem>>, vector<16xf32>,
    %mul3A_860 = arith.mulf %get3A_859, %add3A_810 : vector<16xf32>
    %add3A_861 = arith.addf %add3A_855, %mul3A_860 : vector<16xf32>
    %reduce_sum3A_862 = arith.constant true
    %reduce_sum3A_863 = vector.broadcast %reduce_sum3A_862 : i1 to vector<16xi1>
    %reduce_sum3A_864 = tpu.scan <sum>, %add3A_861 masked %reduce_sum3A_863 : vector<16xf32>, vector<16xi1> -> vector<16xf32>
    %reduce_sum3A_865 = vector.extract %reduce_sum3A_864[15] : f32 from vector<16xf32>
    %get3A_866 = arith.constant 2 : i32
    %get3A_867 = arith.index_cast %get3A_866 : i32 to index
    %get3A_868 = arith.constant 0 : index
    %get3A_869 = tpu.vector_load %arg14[%get3A_867, %get3A_868] {strides = array<i32>} : memref<16x64xf32, #tpu.memory_space<vmem>>, vector<16xf32>,
    %mul3A_870 = arith.mulf %get3A_869, %add3A_795 : vector<16xf32>
    %add3A_871 = arith.addf %broadcast_in_dim3A_105, %mul3A_870 : vector<16xf32>
    %get3A_872 = arith.constant 2 : i32
    %get3A_873 = arith.index_cast %get3A_872 : i32 to index
    %get3A_874 = arith.constant 16 : index
    %get3A_875 = tpu.vector_load %arg14[%get3A_873, %get3A_874] {strides = array<i32>} : memref<16x64xf32, #tpu.memory_space<vmem>>, vector<16xf32>,
    %mul3A_876 = arith.mulf %get3A_875, %add3A_800 : vector<16xf32>
    %add3A_877 = arith.addf %add3A_871, %mul3A_876 : vector<16xf32>
    %get3A_878 = arith.constant 2 : i32
    %get3A_879 = arith.index_cast %get3A_878 : i32 to index
    %get3A_880 = arith.constant 32 : index
    %get3A_881 = tpu.vector_load %arg14[%get3A_879, %get3A_880] {strides = array<i32>} : memref<16x64xf32, #tpu.memory_space<vmem>>, vector<16xf32>,
    %mul3A_882 = arith.mulf %get3A_881, %add3A_805 : vector<16xf32>
    %add3A_883 = arith.addf %add3A_877, %mul3A_882 : vector<16xf32>
    %get3A_884 = arith.constant 2 : i32
    %get3A_885 = arith.index_cast %get3A_884 : i32 to index
    %get3A_886 = arith.constant 48 : index
    %get3A_887 = tpu.vector_load %arg14[%get3A_885, %get3A_886] {strides = array<i32>} : memref<16x64xf32, #tpu.memory_space<vmem>>, vector<16xf32>,
    %mul3A_888 = arith.mulf %get3A_887, %add3A_810 : vector<16xf32>
    %add3A_889 = arith.addf %add3A_883, %mul3A_888 : vector<16xf32>
    %reduce_sum3A_890 = arith.constant true
    %reduce_sum3A_891 = vector.broadcast %reduce_sum3A_890 : i1 to vector<16xi1>
    %reduce_sum3A_892 = tpu.scan <sum>, %add3A_889 masked %reduce_sum3A_891 : vector<16xf32>, vector<16xi1> -> vector<16xf32>
    %reduce_sum3A_893 = vector.extract %reduce_sum3A_892[15] : f32 from vector<16xf32>
    %get3A_894 = arith.constant 3 : i32
    %get3A_895 = arith.index_cast %get3A_894 : i32 to index
    %get3A_896 = arith.constant 0 : index
    %get3A_897 = tpu.vector_load %arg14[%get3A_895, %get3A_896] {strides = array<i32>} : memref<16x64xf32, #tpu.memory_space<vmem>>, vector<16xf32>,
    %mul3A_898 = arith.mulf %get3A_897, %add3A_795 : vector<16xf32>
    %add3A_899 = arith.addf %broadcast_in_dim3A_105, %mul3A_898 : vector<16xf32>
    %get3A_900 = arith.constant 3 : i32
    %get3A_901 = arith.index_cast %get3A_900 : i32 to index
    %get3A_902 = arith.constant 16 : index
    %get3A_903 = tpu.vector_load %arg14[%get3A_901, %get3A_902] {strides = array<i32>} : memref<16x64xf32, #tpu.memory_space<vmem>>, vector<16xf32>,
    %mul3A_904 = arith.mulf %get3A_903, %add3A_800 : vector<16xf32>
    %add3A_905 = arith.addf %add3A_899, %mul3A_904 : vector<16xf32>
    %get3A_906 = arith.constant 3 : i32
    %get3A_907 = arith.index_cast %get3A_906 : i32 to index
    %get3A_908 = arith.constant 32 : index
    %get3A_909 = tpu.vector_load %arg14[%get3A_907, %get3A_908] {strides = array<i32>} : memref<16x64xf32, #tpu.memory_space<vmem>>, vector<16xf32>,
    %mul3A_910 = arith.mulf %get3A_909, %add3A_805 : vector<16xf32>
    %add3A_911 = arith.addf %add3A_905, %mul3A_910 : vector<16xf32>
    %get3A_912 = arith.constant 3 : i32
    %get3A_913 = arith.index_cast %get3A_912 : i32 to index
    %get3A_914 = arith.constant 48 : index
    %get3A_915 = tpu.vector_load %arg14[%get3A_913, %get3A_914] {strides = array<i32>} : memref<16x64xf32, #tpu.memory_space<vmem>>, vector<16xf32>,
    %mul3A_916 = arith.mulf %get3A_915, %add3A_810 : vector<16xf32>
    %add3A_917 = arith.addf %add3A_911, %mul3A_916 : vector<16xf32>
    %reduce_sum3A_918 = arith.constant true
    %reduce_sum3A_919 = vector.broadcast %reduce_sum3A_918 : i1 to vector<16xi1>
    %reduce_sum3A_920 = tpu.scan <sum>, %add3A_917 masked %reduce_sum3A_919 : vector<16xf32>, vector<16xi1> -> vector<16xf32>
    %reduce_sum3A_921 = vector.extract %reduce_sum3A_920[15] : f32 from vector<16xf32>
    %get3A_922 = arith.constant 4 : i32
    %get3A_923 = arith.index_cast %get3A_922 : i32 to index
    %get3A_924 = arith.constant 0 : index
    %get3A_925 = tpu.vector_load %arg14[%get3A_923, %get3A_924] {strides = array<i32>} : memref<16x64xf32, #tpu.memory_space<vmem>>, vector<16xf32>,
    %mul3A_926 = arith.mulf %get3A_925, %add3A_795 : vector<16xf32>
    %add3A_927 = arith.addf %broadcast_in_dim3A_105, %mul3A_926 : vector<16xf32>
    %get3A_928 = arith.constant 4 : i32
    %get3A_929 = arith.index_cast %get3A_928 : i32 to index
    %get3A_930 = arith.constant 16 : index
    %get3A_931 = tpu.vector_load %arg14[%get3A_929, %get3A_930] {strides = array<i32>} : memref<16x64xf32, #tpu.memory_space<vmem>>, vector<16xf32>,
    %mul3A_932 = arith.mulf %get3A_931, %add3A_800 : vector<16xf32>
    %add3A_933 = arith.addf %add3A_927, %mul3A_932 : vector<16xf32>
    %get3A_934 = arith.constant 4 : i32
    %get3A_935 = arith.index_cast %get3A_934 : i32 to index
    %get3A_936 = arith.constant 32 : index
    %get3A_937 = tpu.vector_load %arg14[%get3A_935, %get3A_936] {strides = array<i32>} : memref<16x64xf32, #tpu.memory_space<vmem>>, vector<16xf32>,
    %mul3A_938 = arith.mulf %get3A_937, %add3A_805 : vector<16xf32>
    %add3A_939 = arith.addf %add3A_933, %mul3A_938 : vector<16xf32>
    %get3A_940 = arith.constant 4 : i32
    %get3A_941 = arith.index_cast %get3A_940 : i32 to index
    %get3A_942 = arith.constant 48 : index
    %get3A_943 = tpu.vector_load %arg14[%get3A_941, %get3A_942] {strides = array<i32>} : memref<16x64xf32, #tpu.memory_space<vmem>>, vector<16xf32>,
    %mul3A_944 = arith.mulf %get3A_943, %add3A_810 : vector<16xf32>
    %add3A_945 = arith.addf %add3A_939, %mul3A_944 : vector<16xf32>
    %reduce_sum3A_946 = arith.constant true
    %reduce_sum3A_947 = vector.broadcast %reduce_sum3A_946 : i1 to vector<16xi1>
    %reduce_sum3A_948 = tpu.scan <sum>, %add3A_945 masked %reduce_sum3A_947 : vector<16xf32>, vector<16xi1> -> vector<16xf32>
    %reduce_sum3A_949 = vector.extract %reduce_sum3A_948[15] : f32 from vector<16xf32>
    %get3A_950 = arith.constant 5 : i32
    %get3A_951 = arith.index_cast %get3A_950 : i32 to index
    %get3A_952 = arith.constant 0 : index
    %get3A_953 = tpu.vector_load %arg14[%get3A_951, %get3A_952] {strides = array<i32>} : memref<16x64xf32, #tpu.memory_space<vmem>>, vector<16xf32>,
    %mul3A_954 = arith.mulf %get3A_953, %add3A_795 : vector<16xf32>
    %add3A_955 = arith.addf %broadcast_in_dim3A_105, %mul3A_954 : vector<16xf32>
    %get3A_956 = arith.constant 5 : i32
    %get3A_957 = arith.index_cast %get3A_956 : i32 to index
    %get3A_958 = arith.constant 16 : index
    %get3A_959 = tpu.vector_load %arg14[%get3A_957, %get3A_958] {strides = array<i32>} : memref<16x64xf32, #tpu.memory_space<vmem>>, vector<16xf32>,
    %mul3A_960 = arith.mulf %get3A_959, %add3A_800 : vector<16xf32>
    %add3A_961 = arith.addf %add3A_955, %mul3A_960 : vector<16xf32>
    %get3A_962 = arith.constant 5 : i32
    %get3A_963 = arith.index_cast %get3A_962 : i32 to index
    %get3A_964 = arith.constant 32 : index
    %get3A_965 = tpu.vector_load %arg14[%get3A_963, %get3A_964] {strides = array<i32>} : memref<16x64xf32, #tpu.memory_space<vmem>>, vector<16xf32>,
    %mul3A_966 = arith.mulf %get3A_965, %add3A_805 : vector<16xf32>
    %add3A_967 = arith.addf %add3A_961, %mul3A_966 : vector<16xf32>
    %get3A_968 = arith.constant 5 : i32
    %get3A_969 = arith.index_cast %get3A_968 : i32 to index
    %get3A_970 = arith.constant 48 : index
    %get3A_971 = tpu.vector_load %arg14[%get3A_969, %get3A_970] {strides = array<i32>} : memref<16x64xf32, #tpu.memory_space<vmem>>, vector<16xf32>,
    %mul3A_972 = arith.mulf %get3A_971, %add3A_810 : vector<16xf32>
    %add3A_973 = arith.addf %add3A_967, %mul3A_972 : vector<16xf32>
    %reduce_sum3A_974 = arith.constant true
    %reduce_sum3A_975 = vector.broadcast %reduce_sum3A_974 : i1 to vector<16xi1>
    %reduce_sum3A_976 = tpu.scan <sum>, %add3A_973 masked %reduce_sum3A_975 : vector<16xf32>, vector<16xi1> -> vector<16xf32>
    %reduce_sum3A_977 = vector.extract %reduce_sum3A_976[15] : f32 from vector<16xf32>
    %get3A_978 = arith.constant 6 : i32
    %get3A_979 = arith.index_cast %get3A_978 : i32 to index
    %get3A_980 = arith.constant 0 : index
    %get3A_981 = tpu.vector_load %arg14[%get3A_979, %get3A_980] {strides = array<i32>} : memref<16x64xf32, #tpu.memory_space<vmem>>, vector<16xf32>,
    %mul3A_982 = arith.mulf %get3A_981, %add3A_795 : vector<16xf32>
    %add3A_983 = arith.addf %broadcast_in_dim3A_105, %mul3A_982 : vector<16xf32>
    %get3A_984 = arith.constant 6 : i32
    %get3A_985 = arith.index_cast %get3A_984 : i32 to index
    %get3A_986 = arith.constant 16 : index
    %get3A_987 = tpu.vector_load %arg14[%get3A_985, %get3A_986] {strides = array<i32>} : memref<16x64xf32, #tpu.memory_space<vmem>>, vector<16xf32>,
    %mul3A_988 = arith.mulf %get3A_987, %add3A_800 : vector<16xf32>
    %add3A_989 = arith.addf %add3A_983, %mul3A_988 : vector<16xf32>
    %get3A_990 = arith.constant 6 : i32
    %get3A_991 = arith.index_cast %get3A_990 : i32 to index
    %get3A_992 = arith.constant 32 : index
    %get3A_993 = tpu.vector_load %arg14[%get3A_991, %get3A_992] {strides = array<i32>} : memref<16x64xf32, #tpu.memory_space<vmem>>, vector<16xf32>,
    %mul3A_994 = arith.mulf %get3A_993, %add3A_805 : vector<16xf32>
    %add3A_995 = arith.addf %add3A_989, %mul3A_994 : vector<16xf32>
    %get3A_996 = arith.constant 6 : i32
    %get3A_997 = arith.index_cast %get3A_996 : i32 to index
    %get3A_998 = arith.constant 48 : index
    %get3A_999 = tpu.vector_load %arg14[%get3A_997, %get3A_998] {strides = array<i32>} : memref<16x64xf32, #tpu.memory_space<vmem>>, vector<16xf32>,
    %mul3A_1000 = arith.mulf %get3A_999, %add3A_810 : vector<16xf32>
    %add3A_1001 = arith.addf %add3A_995, %mul3A_1000 : vector<16xf32>
    %reduce_sum3A_1002 = arith.constant true
    %reduce_sum3A_1003 = vector.broadcast %reduce_sum3A_1002 : i1 to vector<16xi1>
    %reduce_sum3A_1004 = tpu.scan <sum>, %add3A_1001 masked %reduce_sum3A_1003 : vector<16xf32>, vector<16xi1> -> vector<16xf32>
    %reduce_sum3A_1005 = vector.extract %reduce_sum3A_1004[15] : f32 from vector<16xf32>
    %get3A_1006 = arith.constant 7 : i32
    %get3A_1007 = arith.index_cast %get3A_1006 : i32 to index
    %get3A_1008 = arith.constant 0 : index
    %get3A_1009 = tpu.vector_load %arg14[%get3A_1007, %get3A_1008] {strides = array<i32>} : memref<16x64xf32, #tpu.memory_space<vmem>>, vector<16xf32>,
    %mul3A_1010 = arith.mulf %get3A_1009, %add3A_795 : vector<16xf32>
    %add3A_1011 = arith.addf %broadcast_in_dim3A_105, %mul3A_1010 : vector<16xf32>
    %get3A_1012 = arith.constant 7 : i32
    %get3A_1013 = arith.index_cast %get3A_1012 : i32 to index
    %get3A_1014 = arith.constant 16 : index
    %get3A_1015 = tpu.vector_load %arg14[%get3A_1013, %get3A_1014] {strides = array<i32>} : memref<16x64xf32, #tpu.memory_space<vmem>>, vector<16xf32>,
    %mul3A_1016 = arith.mulf %get3A_1015, %add3A_800 : vector<16xf32>
    %add3A_1017 = arith.addf %add3A_1011, %mul3A_1016 : vector<16xf32>
    %get3A_1018 = arith.constant 7 : i32
    %get3A_1019 = arith.index_cast %get3A_1018 : i32 to index
    %get3A_1020 = arith.constant 32 : index
    %get3A_1021 = tpu.vector_load %arg14[%get3A_1019, %get3A_1020] {strides = array<i32>} : memref<16x64xf32, #tpu.memory_space<vmem>>, vector<16xf32>,
    %mul3A_1022 = arith.mulf %get3A_1021, %add3A_805 : vector<16xf32>
    %add3A_1023 = arith.addf %add3A_1017, %mul3A_1022 : vector<16xf32>
    %get3A_1024 = arith.constant 7 : i32
    %get3A_1025 = arith.index_cast %get3A_1024 : i32 to index
    %get3A_1026 = arith.constant 48 : index
    %get3A_1027 = tpu.vector_load %arg14[%get3A_1025, %get3A_1026] {strides = array<i32>} : memref<16x64xf32, #tpu.memory_space<vmem>>, vector<16xf32>,
    %mul3A_1028 = arith.mulf %get3A_1027, %add3A_810 : vector<16xf32>
    %add3A_1029 = arith.addf %add3A_1023, %mul3A_1028 : vector<16xf32>
    %reduce_sum3A_1030 = arith.constant true
    %reduce_sum3A_1031 = vector.broadcast %reduce_sum3A_1030 : i1 to vector<16xi1>
    %reduce_sum3A_1032 = tpu.scan <sum>, %add3A_1029 masked %reduce_sum3A_1031 : vector<16xf32>, vector<16xi1> -> vector<16xf32>
    %reduce_sum3A_1033 = vector.extract %reduce_sum3A_1032[15] : f32 from vector<16xf32>
    %get3A_1034 = arith.constant 8 : i32
    %get3A_1035 = arith.index_cast %get3A_1034 : i32 to index
    %get3A_1036 = arith.constant 0 : index
    %get3A_1037 = tpu.vector_load %arg14[%get3A_1035, %get3A_1036] {strides = array<i32>} : memref<16x64xf32, #tpu.memory_space<vmem>>, vector<16xf32>,
    %mul3A_1038 = arith.mulf %get3A_1037, %add3A_795 : vector<16xf32>
    %add3A_1039 = arith.addf %broadcast_in_dim3A_105, %mul3A_1038 : vector<16xf32>
    %get3A_1040 = arith.constant 8 : i32
    %get3A_1041 = arith.index_cast %get3A_1040 : i32 to index
    %get3A_1042 = arith.constant 16 : index
    %get3A_1043 = tpu.vector_load %arg14[%get3A_1041, %get3A_1042] {strides = array<i32>} : memref<16x64xf32, #tpu.memory_space<vmem>>, vector<16xf32>,
    %mul3A_1044 = arith.mulf %get3A_1043, %add3A_800 : vector<16xf32>
    %add3A_1045 = arith.addf %add3A_1039, %mul3A_1044 : vector<16xf32>
    %get3A_1046 = arith.constant 8 : i32
    %get3A_1047 = arith.index_cast %get3A_1046 : i32 to index
    %get3A_1048 = arith.constant 32 : index
    %get3A_1049 = tpu.vector_load %arg14[%get3A_1047, %get3A_1048] {strides = array<i32>} : memref<16x64xf32, #tpu.memory_space<vmem>>, vector<16xf32>,
    %mul3A_1050 = arith.mulf %get3A_1049, %add3A_805 : vector<16xf32>
    %add3A_1051 = arith.addf %add3A_1045, %mul3A_1050 : vector<16xf32>
    %get3A_1052 = arith.constant 8 : i32
    %get3A_1053 = arith.index_cast %get3A_1052 : i32 to index
    %get3A_1054 = arith.constant 48 : index
    %get3A_1055 = tpu.vector_load %arg14[%get3A_1053, %get3A_1054] {strides = array<i32>} : memref<16x64xf32, #tpu.memory_space<vmem>>, vector<16xf32>,
    %mul3A_1056 = arith.mulf %get3A_1055, %add3A_810 : vector<16xf32>
    %add3A_1057 = arith.addf %add3A_1051, %mul3A_1056 : vector<16xf32>
    %reduce_sum3A_1058 = arith.constant true
    %reduce_sum3A_1059 = vector.broadcast %reduce_sum3A_1058 : i1 to vector<16xi1>
    %reduce_sum3A_1060 = tpu.scan <sum>, %add3A_1057 masked %reduce_sum3A_1059 : vector<16xf32>, vector<16xi1> -> vector<16xf32>
    %reduce_sum3A_1061 = vector.extract %reduce_sum3A_1060[15] : f32 from vector<16xf32>
    %get3A_1062 = arith.constant 9 : i32
    %get3A_1063 = arith.index_cast %get3A_1062 : i32 to index
    %get3A_1064 = arith.constant 0 : index
    %get3A_1065 = tpu.vector_load %arg14[%get3A_1063, %get3A_1064] {strides = array<i32>} : memref<16x64xf32, #tpu.memory_space<vmem>>, vector<16xf32>,
    %mul3A_1066 = arith.mulf %get3A_1065, %add3A_795 : vector<16xf32>
    %add3A_1067 = arith.addf %broadcast_in_dim3A_105, %mul3A_1066 : vector<16xf32>
    %get3A_1068 = arith.constant 9 : i32
    %get3A_1069 = arith.index_cast %get3A_1068 : i32 to index
    %get3A_1070 = arith.constant 16 : index
    %get3A_1071 = tpu.vector_load %arg14[%get3A_1069, %get3A_1070] {strides = array<i32>} : memref<16x64xf32, #tpu.memory_space<vmem>>, vector<16xf32>,
    %mul3A_1072 = arith.mulf %get3A_1071, %add3A_800 : vector<16xf32>
    %add3A_1073 = arith.addf %add3A_1067, %mul3A_1072 : vector<16xf32>
    %get3A_1074 = arith.constant 9 : i32
    %get3A_1075 = arith.index_cast %get3A_1074 : i32 to index
    %get3A_1076 = arith.constant 32 : index
    %get3A_1077 = tpu.vector_load %arg14[%get3A_1075, %get3A_1076] {strides = array<i32>} : memref<16x64xf32, #tpu.memory_space<vmem>>, vector<16xf32>,
    %mul3A_1078 = arith.mulf %get3A_1077, %add3A_805 : vector<16xf32>
    %add3A_1079 = arith.addf %add3A_1073, %mul3A_1078 : vector<16xf32>
    %get3A_1080 = arith.constant 9 : i32
    %get3A_1081 = arith.index_cast %get3A_1080 : i32 to index
    %get3A_1082 = arith.constant 48 : index
    %get3A_1083 = tpu.vector_load %arg14[%get3A_1081, %get3A_1082] {strides = array<i32>} : memref<16x64xf32, #tpu.memory_space<vmem>>, vector<16xf32>,
    %mul3A_1084 = arith.mulf %get3A_1083, %add3A_810 : vector<16xf32>
    %add3A_1085 = arith.addf %add3A_1079, %mul3A_1084 : vector<16xf32>
    %reduce_sum3A_1086 = arith.constant true
    %reduce_sum3A_1087 = vector.broadcast %reduce_sum3A_1086 : i1 to vector<16xi1>
    %reduce_sum3A_1088 = tpu.scan <sum>, %add3A_1085 masked %reduce_sum3A_1087 : vector<16xf32>, vector<16xi1> -> vector<16xf32>
    %reduce_sum3A_1089 = vector.extract %reduce_sum3A_1088[15] : f32 from vector<16xf32>
    %get3A_1090 = arith.constant 10 : i32
    %get3A_1091 = arith.index_cast %get3A_1090 : i32 to index
    %get3A_1092 = arith.constant 0 : index
    %get3A_1093 = tpu.vector_load %arg14[%get3A_1091, %get3A_1092] {strides = array<i32>} : memref<16x64xf32, #tpu.memory_space<vmem>>, vector<16xf32>,
    %mul3A_1094 = arith.mulf %get3A_1093, %add3A_795 : vector<16xf32>
    %add3A_1095 = arith.addf %broadcast_in_dim3A_105, %mul3A_1094 : vector<16xf32>
    %get3A_1096 = arith.constant 10 : i32
    %get3A_1097 = arith.index_cast %get3A_1096 : i32 to index
    %get3A_1098 = arith.constant 16 : index
    %get3A_1099 = tpu.vector_load %arg14[%get3A_1097, %get3A_1098] {strides = array<i32>} : memref<16x64xf32, #tpu.memory_space<vmem>>, vector<16xf32>,
    %mul3A_1100 = arith.mulf %get3A_1099, %add3A_800 : vector<16xf32>
    %add3A_1101 = arith.addf %add3A_1095, %mul3A_1100 : vector<16xf32>
    %get3A_1102 = arith.constant 10 : i32
    %get3A_1103 = arith.index_cast %get3A_1102 : i32 to index
    %get3A_1104 = arith.constant 32 : index
    %get3A_1105 = tpu.vector_load %arg14[%get3A_1103, %get3A_1104] {strides = array<i32>} : memref<16x64xf32, #tpu.memory_space<vmem>>, vector<16xf32>,
    %mul3A_1106 = arith.mulf %get3A_1105, %add3A_805 : vector<16xf32>
    %add3A_1107 = arith.addf %add3A_1101, %mul3A_1106 : vector<16xf32>
    %get3A_1108 = arith.constant 10 : i32
    %get3A_1109 = arith.index_cast %get3A_1108 : i32 to index
    %get3A_1110 = arith.constant 48 : index
    %get3A_1111 = tpu.vector_load %arg14[%get3A_1109, %get3A_1110] {strides = array<i32>} : memref<16x64xf32, #tpu.memory_space<vmem>>, vector<16xf32>,
    %mul3A_1112 = arith.mulf %get3A_1111, %add3A_810 : vector<16xf32>
    %add3A_1113 = arith.addf %add3A_1107, %mul3A_1112 : vector<16xf32>
    %reduce_sum3A_1114 = arith.constant true
    %reduce_sum3A_1115 = vector.broadcast %reduce_sum3A_1114 : i1 to vector<16xi1>
    %reduce_sum3A_1116 = tpu.scan <sum>, %add3A_1113 masked %reduce_sum3A_1115 : vector<16xf32>, vector<16xi1> -> vector<16xf32>
    %reduce_sum3A_1117 = vector.extract %reduce_sum3A_1116[15] : f32 from vector<16xf32>
    %get3A_1118 = arith.constant 11 : i32
    %get3A_1119 = arith.index_cast %get3A_1118 : i32 to index
    %get3A_1120 = arith.constant 0 : index
    %get3A_1121 = tpu.vector_load %arg14[%get3A_1119, %get3A_1120] {strides = array<i32>} : memref<16x64xf32, #tpu.memory_space<vmem>>, vector<16xf32>,
    %mul3A_1122 = arith.mulf %get3A_1121, %add3A_795 : vector<16xf32>
    %add3A_1123 = arith.addf %broadcast_in_dim3A_105, %mul3A_1122 : vector<16xf32>
    %get3A_1124 = arith.constant 11 : i32
    %get3A_1125 = arith.index_cast %get3A_1124 : i32 to index
    %get3A_1126 = arith.constant 16 : index
    %get3A_1127 = tpu.vector_load %arg14[%get3A_1125, %get3A_1126] {strides = array<i32>} : memref<16x64xf32, #tpu.memory_space<vmem>>, vector<16xf32>,
    %mul3A_1128 = arith.mulf %get3A_1127, %add3A_800 : vector<16xf32>
    %add3A_1129 = arith.addf %add3A_1123, %mul3A_1128 : vector<16xf32>
    %get3A_1130 = arith.constant 11 : i32
    %get3A_1131 = arith.index_cast %get3A_1130 : i32 to index
    %get3A_1132 = arith.constant 32 : index
    %get3A_1133 = tpu.vector_load %arg14[%get3A_1131, %get3A_1132] {strides = array<i32>} : memref<16x64xf32, #tpu.memory_space<vmem>>, vector<16xf32>,
    %mul3A_1134 = arith.mulf %get3A_1133, %add3A_805 : vector<16xf32>
    %add3A_1135 = arith.addf %add3A_1129, %mul3A_1134 : vector<16xf32>
    %get3A_1136 = arith.constant 11 : i32
    %get3A_1137 = arith.index_cast %get3A_1136 : i32 to index
    %get3A_1138 = arith.constant 48 : index
    %get3A_1139 = tpu.vector_load %arg14[%get3A_1137, %get3A_1138] {strides = array<i32>} : memref<16x64xf32, #tpu.memory_space<vmem>>, vector<16xf32>,
    %mul3A_1140 = arith.mulf %get3A_1139, %add3A_810 : vector<16xf32>
    %add3A_1141 = arith.addf %add3A_1135, %mul3A_1140 : vector<16xf32>
    %reduce_sum3A_1142 = arith.constant true
    %reduce_sum3A_1143 = vector.broadcast %reduce_sum3A_1142 : i1 to vector<16xi1>
    %reduce_sum3A_1144 = tpu.scan <sum>, %add3A_1141 masked %reduce_sum3A_1143 : vector<16xf32>, vector<16xi1> -> vector<16xf32>
    %reduce_sum3A_1145 = vector.extract %reduce_sum3A_1144[15] : f32 from vector<16xf32>
    %get3A_1146 = arith.constant 12 : i32
    %get3A_1147 = arith.index_cast %get3A_1146 : i32 to index
    %get3A_1148 = arith.constant 0 : index
    %get3A_1149 = tpu.vector_load %arg14[%get3A_1147, %get3A_1148] {strides = array<i32>} : memref<16x64xf32, #tpu.memory_space<vmem>>, vector<16xf32>,
    %mul3A_1150 = arith.mulf %get3A_1149, %add3A_795 : vector<16xf32>
    %add3A_1151 = arith.addf %broadcast_in_dim3A_105, %mul3A_1150 : vector<16xf32>
    %get3A_1152 = arith.constant 12 : i32
    %get3A_1153 = arith.index_cast %get3A_1152 : i32 to index
    %get3A_1154 = arith.constant 16 : index
    %get3A_1155 = tpu.vector_load %arg14[%get3A_1153, %get3A_1154] {strides = array<i32>} : memref<16x64xf32, #tpu.memory_space<vmem>>, vector<16xf32>,
    %mul3A_1156 = arith.mulf %get3A_1155, %add3A_800 : vector<16xf32>
    %add3A_1157 = arith.addf %add3A_1151, %mul3A_1156 : vector<16xf32>
    %get3A_1158 = arith.constant 12 : i32
    %get3A_1159 = arith.index_cast %get3A_1158 : i32 to index
    %get3A_1160 = arith.constant 32 : index
    %get3A_1161 = tpu.vector_load %arg14[%get3A_1159, %get3A_1160] {strides = array<i32>} : memref<16x64xf32, #tpu.memory_space<vmem>>, vector<16xf32>,
    %mul3A_1162 = arith.mulf %get3A_1161, %add3A_805 : vector<16xf32>
    %add3A_1163 = arith.addf %add3A_1157, %mul3A_1162 : vector<16xf32>
    %get3A_1164 = arith.constant 12 : i32
    %get3A_1165 = arith.index_cast %get3A_1164 : i32 to index
    %get3A_1166 = arith.constant 48 : index
    %get3A_1167 = tpu.vector_load %arg14[%get3A_1165, %get3A_1166] {strides = array<i32>} : memref<16x64xf32, #tpu.memory_space<vmem>>, vector<16xf32>,
    %mul3A_1168 = arith.mulf %get3A_1167, %add3A_810 : vector<16xf32>
    %add3A_1169 = arith.addf %add3A_1163, %mul3A_1168 : vector<16xf32>
    %reduce_sum3A_1170 = arith.constant true
    %reduce_sum3A_1171 = vector.broadcast %reduce_sum3A_1170 : i1 to vector<16xi1>
    %reduce_sum3A_1172 = tpu.scan <sum>, %add3A_1169 masked %reduce_sum3A_1171 : vector<16xf32>, vector<16xi1> -> vector<16xf32>
    %reduce_sum3A_1173 = vector.extract %reduce_sum3A_1172[15] : f32 from vector<16xf32>
    %get3A_1174 = arith.constant 13 : i32
    %get3A_1175 = arith.index_cast %get3A_1174 : i32 to index
    %get3A_1176 = arith.constant 0 : index
    %get3A_1177 = tpu.vector_load %arg14[%get3A_1175, %get3A_1176] {strides = array<i32>} : memref<16x64xf32, #tpu.memory_space<vmem>>, vector<16xf32>,
    %mul3A_1178 = arith.mulf %get3A_1177, %add3A_795 : vector<16xf32>
    %add3A_1179 = arith.addf %broadcast_in_dim3A_105, %mul3A_1178 : vector<16xf32>
    %get3A_1180 = arith.constant 13 : i32
    %get3A_1181 = arith.index_cast %get3A_1180 : i32 to index
    %get3A_1182 = arith.constant 16 : index
    %get3A_1183 = tpu.vector_load %arg14[%get3A_1181, %get3A_1182] {strides = array<i32>} : memref<16x64xf32, #tpu.memory_space<vmem>>, vector<16xf32>,
    %mul3A_1184 = arith.mulf %get3A_1183, %add3A_800 : vector<16xf32>
    %add3A_1185 = arith.addf %add3A_1179, %mul3A_1184 : vector<16xf32>
    %get3A_1186 = arith.constant 13 : i32
    %get3A_1187 = arith.index_cast %get3A_1186 : i32 to index
    %get3A_1188 = arith.constant 32 : index
    %get3A_1189 = tpu.vector_load %arg14[%get3A_1187, %get3A_1188] {strides = array<i32>} : memref<16x64xf32, #tpu.memory_space<vmem>>, vector<16xf32>,
    %mul3A_1190 = arith.mulf %get3A_1189, %add3A_805 : vector<16xf32>
    %add3A_1191 = arith.addf %add3A_1185, %mul3A_1190 : vector<16xf32>
    %get3A_1192 = arith.constant 13 : i32
    %get3A_1193 = arith.index_cast %get3A_1192 : i32 to index
    %get3A_1194 = arith.constant 48 : index
    %get3A_1195 = tpu.vector_load %arg14[%get3A_1193, %get3A_1194] {strides = array<i32>} : memref<16x64xf32, #tpu.memory_space<vmem>>, vector<16xf32>,
    %mul3A_1196 = arith.mulf %get3A_1195, %add3A_810 : vector<16xf32>
    %add3A_1197 = arith.addf %add3A_1191, %mul3A_1196 : vector<16xf32>
    %reduce_sum3A_1198 = arith.constant true
    %reduce_sum3A_1199 = vector.broadcast %reduce_sum3A_1198 : i1 to vector<16xi1>
    %reduce_sum3A_1200 = tpu.scan <sum>, %add3A_1197 masked %reduce_sum3A_1199 : vector<16xf32>, vector<16xi1> -> vector<16xf32>
    %reduce_sum3A_1201 = vector.extract %reduce_sum3A_1200[15] : f32 from vector<16xf32>
    %get3A_1202 = arith.constant 14 : i32
    %get3A_1203 = arith.index_cast %get3A_1202 : i32 to index
    %get3A_1204 = arith.constant 0 : index
    %get3A_1205 = tpu.vector_load %arg14[%get3A_1203, %get3A_1204] {strides = array<i32>} : memref<16x64xf32, #tpu.memory_space<vmem>>, vector<16xf32>,
    %mul3A_1206 = arith.mulf %get3A_1205, %add3A_795 : vector<16xf32>
    %add3A_1207 = arith.addf %broadcast_in_dim3A_105, %mul3A_1206 : vector<16xf32>
    %get3A_1208 = arith.constant 14 : i32
    %get3A_1209 = arith.index_cast %get3A_1208 : i32 to index
    %get3A_1210 = arith.constant 16 : index
    %get3A_1211 = tpu.vector_load %arg14[%get3A_1209, %get3A_1210] {strides = array<i32>} : memref<16x64xf32, #tpu.memory_space<vmem>>, vector<16xf32>,
    %mul3A_1212 = arith.mulf %get3A_1211, %add3A_800 : vector<16xf32>
    %add3A_1213 = arith.addf %add3A_1207, %mul3A_1212 : vector<16xf32>
    %get3A_1214 = arith.constant 14 : i32
    %get3A_1215 = arith.index_cast %get3A_1214 : i32 to index
    %get3A_1216 = arith.constant 32 : index
    %get3A_1217 = tpu.vector_load %arg14[%get3A_1215, %get3A_1216] {strides = array<i32>} : memref<16x64xf32, #tpu.memory_space<vmem>>, vector<16xf32>,
    %mul3A_1218 = arith.mulf %get3A_1217, %add3A_805 : vector<16xf32>
    %add3A_1219 = arith.addf %add3A_1213, %mul3A_1218 : vector<16xf32>
    %get3A_1220 = arith.constant 14 : i32
    %get3A_1221 = arith.index_cast %get3A_1220 : i32 to index
    %get3A_1222 = arith.constant 48 : index
    %get3A_1223 = tpu.vector_load %arg14[%get3A_1221, %get3A_1222] {strides = array<i32>} : memref<16x64xf32, #tpu.memory_space<vmem>>, vector<16xf32>,
    %mul3A_1224 = arith.mulf %get3A_1223, %add3A_810 : vector<16xf32>
    %add3A_1225 = arith.addf %add3A_1219, %mul3A_1224 : vector<16xf32>
    %reduce_sum3A_1226 = arith.constant true
    %reduce_sum3A_1227 = vector.broadcast %reduce_sum3A_1226 : i1 to vector<16xi1>
    %reduce_sum3A_1228 = tpu.scan <sum>, %add3A_1225 masked %reduce_sum3A_1227 : vector<16xf32>, vector<16xi1> -> vector<16xf32>
    %reduce_sum3A_1229 = vector.extract %reduce_sum3A_1228[15] : f32 from vector<16xf32>
    %get3A_1230 = arith.constant 15 : i32
    %get3A_1231 = arith.index_cast %get3A_1230 : i32 to index
    %get3A_1232 = arith.constant 0 : index
    %get3A_1233 = tpu.vector_load %arg14[%get3A_1231, %get3A_1232] {strides = array<i32>} : memref<16x64xf32, #tpu.memory_space<vmem>>, vector<16xf32>,
    %mul3A_1234 = arith.mulf %get3A_1233, %add3A_795 : vector<16xf32>
    %add3A_1235 = arith.addf %broadcast_in_dim3A_105, %mul3A_1234 : vector<16xf32>
    %get3A_1236 = arith.constant 15 : i32
    %get3A_1237 = arith.index_cast %get3A_1236 : i32 to index
    %get3A_1238 = arith.constant 16 : index
    %get3A_1239 = tpu.vector_load %arg14[%get3A_1237, %get3A_1238] {strides = array<i32>} : memref<16x64xf32, #tpu.memory_space<vmem>>, vector<16xf32>,
    %mul3A_1240 = arith.mulf %get3A_1239, %add3A_800 : vector<16xf32>
    %add3A_1241 = arith.addf %add3A_1235, %mul3A_1240 : vector<16xf32>
    %get3A_1242 = arith.constant 15 : i32
    %get3A_1243 = arith.index_cast %get3A_1242 : i32 to index
    %get3A_1244 = arith.constant 32 : index
    %get3A_1245 = tpu.vector_load %arg14[%get3A_1243, %get3A_1244] {strides = array<i32>} : memref<16x64xf32, #tpu.memory_space<vmem>>, vector<16xf32>,
    %mul3A_1246 = arith.mulf %get3A_1245, %add3A_805 : vector<16xf32>
    %add3A_1247 = arith.addf %add3A_1241, %mul3A_1246 : vector<16xf32>
    %get3A_1248 = arith.constant 15 : i32
    %get3A_1249 = arith.index_cast %get3A_1248 : i32 to index
    %get3A_1250 = arith.constant 48 : index
    %get3A_1251 = tpu.vector_load %arg14[%get3A_1249, %get3A_1250] {strides = array<i32>} : memref<16x64xf32, #tpu.memory_space<vmem>>, vector<16xf32>,
    %mul3A_1252 = arith.mulf %get3A_1251, %add3A_810 : vector<16xf32>
    %add3A_1253 = arith.addf %add3A_1247, %mul3A_1252 : vector<16xf32>
    %reduce_sum3A_1254 = arith.constant true
    %reduce_sum3A_1255 = vector.broadcast %reduce_sum3A_1254 : i1 to vector<16xi1>
    %reduce_sum3A_1256 = tpu.scan <sum>, %add3A_1253 masked %reduce_sum3A_1255 : vector<16xf32>, vector<16xi1> -> vector<16xf32>
    %reduce_sum3A_1257 = vector.extract %reduce_sum3A_1256[15] : f32 from vector<16xf32>
    %get3A_1258 = arith.constant 2048 : index
    %get3A_1259 = tpu.vector_load %arg13[%get3A_1258] {strides = array<i32>} : memref<2192xf32, #tpu.memory_space<vmem>>, vector<16xf32>,
    %mul3A_1260 = arith.mulf %get3A_1259, %add3A_795 : vector<16xf32>
    %add3A_1261 = arith.addf %broadcast_in_dim3A_105, %mul3A_1260 : vector<16xf32>
    %get3A_1262 = arith.constant 2064 : index
    %get3A_1263 = tpu.vector_load %arg13[%get3A_1262] {strides = array<i32>} : memref<2192xf32, #tpu.memory_space<vmem>>, vector<16xf32>,
    %mul3A_1264 = arith.mulf %get3A_1263, %add3A_800 : vector<16xf32>
    %add3A_1265 = arith.addf %add3A_1261, %mul3A_1264 : vector<16xf32>
    %get3A_1266 = arith.constant 2080 : index
    %get3A_1267 = tpu.vector_load %arg13[%get3A_1266] {strides = array<i32>} : memref<2192xf32, #tpu.memory_space<vmem>>, vector<16xf32>,
    %mul3A_1268 = arith.mulf %get3A_1267, %add3A_805 : vector<16xf32>
    %add3A_1269 = arith.addf %add3A_1265, %mul3A_1268 : vector<16xf32>
    %get3A_1270 = arith.constant 2096 : index
    %get3A_1271 = tpu.vector_load %arg13[%get3A_1270] {strides = array<i32>} : memref<2192xf32, #tpu.memory_space<vmem>>, vector<16xf32>,
    %mul3A_1272 = arith.mulf %get3A_1271, %add3A_810 : vector<16xf32>
    %add3A_1273 = arith.addf %add3A_1269, %mul3A_1272 : vector<16xf32>
    %get3A_1274 = arith.constant 2112 : index
    %get3A_1275 = tpu.vector_load %arg13[%get3A_1274] {strides = array<i32>} : memref<2192xf32, #tpu.memory_space<vmem>>, vector<16xf32>,
    %mul3A_1276 = arith.mulf %get3A_1275, %get3A_106 : vector<16xf32>
    %get3A_1277 = arith.constant 2128 : index
    %get3A_1278 = tpu.vector_load %arg13[%get3A_1277] {strides = array<i32>} : memref<2192xf32, #tpu.memory_space<vmem>>, vector<16xf32>,
    %mul3A_1279 = arith.mulf %get3A_1278, %get3A_108 : vector<16xf32>
    %add3A_1280 = arith.addf %mul3A_1276, %mul3A_1279 : vector<16xf32>
    %reduce_sum3A_1281 = arith.constant true
    %reduce_sum3A_1282 = vector.broadcast %reduce_sum3A_1281 : i1 to vector<16xi1>
    %reduce_sum3A_1283 = tpu.scan <sum>, %add3A_1273 masked %reduce_sum3A_1282 : vector<16xf32>, vector<16xi1> -> vector<16xf32>
    %reduce_sum3A_1284 = vector.extract %reduce_sum3A_1283[15] : f32 from vector<16xf32>
    %reduce_sum3A_1285 = arith.constant true
    %reduce_sum3A_1286 = vector.broadcast %reduce_sum3A_1285 : i1 to vector<16xi1>
    %reduce_sum3A_1287 = tpu.scan <sum>, %add3A_1280 masked %reduce_sum3A_1286 : vector<16xf32>, vector<16xi1> -> vector<16xf32>
    %reduce_sum3A_1288 = vector.extract %reduce_sum3A_1287[15] : f32 from vector<16xf32>
    %add3A_1289 = arith.addf %reduce_sum3A_1284, %reduce_sum3A_1288 : f32
    %get3A_1290 = arith.constant 2176 : index
    %get3A_1291 = tpu.vector_load %arg13[%get3A_1290] {strides = array<i32>} : memref<2192xf32, #tpu.memory_space<vmem>>, vector<16xf32>,
    %slice3A_1292 = vector.extract_strided_slice %get3A_1291 {offsets = [0], sizes = [1], strides = [1]} : vector<16xf32> to vector<1xf32>
    %squeeze3A_1293 = vector.extract %slice3A_1292[0] : f32 from vector<1xf32>
    %add3A_1294 = arith.addf %add3A_1289, %squeeze3A_1293 : f32
    %dma_wait3A_1295 = arith.constant 0 : i32
    %dma_wait3A_1296 = tpu.memref_slice %arg11[%dma_wait3A_1295] : memref<4096xf32, #tpu.memory_space<vmem>> -> memref<512xf32, #tpu.memory_space<vmem>>
    %dma_wait3A_1297 = arith.constant 0 : i32
    %dma_wait3A_1298 = tpu.memref_slice %arg4[%dma_wait3A_1297] : memref<200640xf32, #tpu.memory_space<hbm>> -> memref<25076xf32, #tpu.memory_space<hbm>>
    %dma_wait3A_1299 = arith.constant 0 : i32
    %dma_wait3A_1300 = tpu.memref_slice %dma_wait3A_1298[%dma_wait3A_1299] : memref<25076xf32, #tpu.memory_space<hbm>> -> memref<25076xf32, #tpu.memory_space<hbm>>
    tpu.wait_indirect_dma semaphore(%arg16 : memref<!tpu.dma_semaphore, #tpu.memory_space<semaphore_mem>>) src(%dma_wait3A_1300 : memref<25076xf32, #tpu.memory_space<hbm>>) dst(%dma_wait3A_1296 : memref<512xf32, #tpu.memory_space<vmem>>)
    %dma_wait3A_1301 = arith.constant 512 : i32
    %dma_wait3A_1302 = tpu.memref_slice %arg11[%dma_wait3A_1301] : memref<4096xf32, #tpu.memory_space<vmem>> -> memref<512xf32, #tpu.memory_space<vmem>>
    %dma_wait3A_1303 = arith.constant 25080 : i32
    %dma_wait3A_1304 = tpu.memref_slice %arg4[%dma_wait3A_1303] : memref<200640xf32, #tpu.memory_space<hbm>> -> memref<25076xf32, #tpu.memory_space<hbm>>
    %dma_wait3A_1305 = arith.constant 0 : i32
    %dma_wait3A_1306 = tpu.memref_slice %dma_wait3A_1304[%dma_wait3A_1305] : memref<25076xf32, #tpu.memory_space<hbm>> -> memref<25076xf32, #tpu.memory_space<hbm>>
    tpu.wait_indirect_dma semaphore(%arg16 : memref<!tpu.dma_semaphore, #tpu.memory_space<semaphore_mem>>) src(%dma_wait3A_1306 : memref<25076xf32, #tpu.memory_space<hbm>>) dst(%dma_wait3A_1302 : memref<512xf32, #tpu.memory_space<vmem>>)
    %dma_wait3A_1307 = arith.constant 1024 : i32
    %dma_wait3A_1308 = tpu.memref_slice %arg11[%dma_wait3A_1307] : memref<4096xf32, #tpu.memory_space<vmem>> -> memref<512xf32, #tpu.memory_space<vmem>>
    %dma_wait3A_1309 = arith.constant 50160 : i32
    %dma_wait3A_1310 = tpu.memref_slice %arg4[%dma_wait3A_1309] : memref<200640xf32, #tpu.memory_space<hbm>> -> memref<25076xf32, #tpu.memory_space<hbm>>
    %dma_wait3A_1311 = arith.constant 0 : i32
    %dma_wait3A_1312 = tpu.memref_slice %dma_wait3A_1310[%dma_wait3A_1311] : memref<25076xf32, #tpu.memory_space<hbm>> -> memref<25076xf32, #tpu.memory_space<hbm>>
    tpu.wait_indirect_dma semaphore(%arg16 : memref<!tpu.dma_semaphore, #tpu.memory_space<semaphore_mem>>) src(%dma_wait3A_1312 : memref<25076xf32, #tpu.memory_space<hbm>>) dst(%dma_wait3A_1308 : memref<512xf32, #tpu.memory_space<vmem>>)
    %dma_wait3A_1313 = arith.constant 1536 : i32
    %dma_wait3A_1314 = tpu.memref_slice %arg11[%dma_wait3A_1313] : memref<4096xf32, #tpu.memory_space<vmem>> -> memref<512xf32, #tpu.memory_space<vmem>>
    %dma_wait3A_1315 = arith.constant 75240 : i32
    %dma_wait3A_1316 = tpu.memref_slice %arg4[%dma_wait3A_1315] : memref<200640xf32, #tpu.memory_space<hbm>> -> memref<25076xf32, #tpu.memory_space<hbm>>
    %dma_wait3A_1317 = arith.constant 0 : i32
    %dma_wait3A_1318 = tpu.memref_slice %dma_wait3A_1316[%dma_wait3A_1317] : memref<25076xf32, #tpu.memory_space<hbm>> -> memref<25076xf32, #tpu.memory_space<hbm>>
    tpu.wait_indirect_dma semaphore(%arg16 : memref<!tpu.dma_semaphore, #tpu.memory_space<semaphore_mem>>) src(%dma_wait3A_1318 : memref<25076xf32, #tpu.memory_space<hbm>>) dst(%dma_wait3A_1314 : memref<512xf32, #tpu.memory_space<vmem>>)
    %dma_wait3A_1319 = arith.constant 2048 : i32
    %dma_wait3A_1320 = tpu.memref_slice %arg11[%dma_wait3A_1319] : memref<4096xf32, #tpu.memory_space<vmem>> -> memref<512xf32, #tpu.memory_space<vmem>>
    %dma_wait3A_1321 = arith.constant 100320 : i32
    %dma_wait3A_1322 = tpu.memref_slice %arg4[%dma_wait3A_1321] : memref<200640xf32, #tpu.memory_space<hbm>> -> memref<25076xf32, #tpu.memory_space<hbm>>
    %dma_wait3A_1323 = arith.constant 0 : i32
    %dma_wait3A_1324 = tpu.memref_slice %dma_wait3A_1322[%dma_wait3A_1323] : memref<25076xf32, #tpu.memory_space<hbm>> -> memref<25076xf32, #tpu.memory_space<hbm>>
    tpu.wait_indirect_dma semaphore(%arg16 : memref<!tpu.dma_semaphore, #tpu.memory_space<semaphore_mem>>) src(%dma_wait3A_1324 : memref<25076xf32, #tpu.memory_space<hbm>>) dst(%dma_wait3A_1320 : memref<512xf32, #tpu.memory_space<vmem>>)
    %dma_wait3A_1325 = arith.constant 2560 : i32
    %dma_wait3A_1326 = tpu.memref_slice %arg11[%dma_wait3A_1325] : memref<4096xf32, #tpu.memory_space<vmem>> -> memref<512xf32, #tpu.memory_space<vmem>>
    %dma_wait3A_1327 = arith.constant 125400 : i32
    %dma_wait3A_1328 = tpu.memref_slice %arg4[%dma_wait3A_1327] : memref<200640xf32, #tpu.memory_space<hbm>> -> memref<25076xf32, #tpu.memory_space<hbm>>
    %dma_wait3A_1329 = arith.constant 0 : i32
    %dma_wait3A_1330 = tpu.memref_slice %dma_wait3A_1328[%dma_wait3A_1329] : memref<25076xf32, #tpu.memory_space<hbm>> -> memref<25076xf32, #tpu.memory_space<hbm>>
    tpu.wait_indirect_dma semaphore(%arg16 : memref<!tpu.dma_semaphore, #tpu.memory_space<semaphore_mem>>) src(%dma_wait3A_1330 : memref<25076xf32, #tpu.memory_space<hbm>>) dst(%dma_wait3A_1326 : memref<512xf32, #tpu.memory_space<vmem>>)
    %dma_wait3A_1331 = arith.constant 3072 : i32
    %dma_wait3A_1332 = tpu.memref_slice %arg11[%dma_wait3A_1331] : memref<4096xf32, #tpu.memory_space<vmem>> -> memref<512xf32, #tpu.memory_space<vmem>>
    %dma_wait3A_1333 = arith.constant 150480 : i32
    %dma_wait3A_1334 = tpu.memref_slice %arg4[%dma_wait3A_1333] : memref<200640xf32, #tpu.memory_space<hbm>> -> memref<25076xf32, #tpu.memory_space<hbm>>
    %dma_wait3A_1335 = arith.constant 0 : i32
    %dma_wait3A_1336 = tpu.memref_slice %dma_wait3A_1334[%dma_wait3A_1335] : memref<25076xf32, #tpu.memory_space<hbm>> -> memref<25076xf32, #tpu.memory_space<hbm>>
    tpu.wait_indirect_dma semaphore(%arg16 : memref<!tpu.dma_semaphore, #tpu.memory_space<semaphore_mem>>) src(%dma_wait3A_1336 : memref<25076xf32, #tpu.memory_space<hbm>>) dst(%dma_wait3A_1332 : memref<512xf32, #tpu.memory_space<vmem>>)
    %dma_wait3A_1337 = arith.constant 3584 : i32
    %dma_wait3A_1338 = tpu.memref_slice %arg11[%dma_wait3A_1337] : memref<4096xf32, #tpu.memory_space<vmem>> -> memref<512xf32, #tpu.memory_space<vmem>>
    %dma_wait3A_1339 = arith.constant 175560 : i32
    %dma_wait3A_1340 = tpu.memref_slice %arg4[%dma_wait3A_1339] : memref<200640xf32, #tpu.memory_space<hbm>> -> memref<25076xf32, #tpu.memory_space<hbm>>
    %dma_wait3A_1341 = arith.constant 0 : i32
    %dma_wait3A_1342 = tpu.memref_slice %dma_wait3A_1340[%dma_wait3A_1341] : memref<25076xf32, #tpu.memory_space<hbm>> -> memref<25076xf32, #tpu.memory_space<hbm>>
    tpu.wait_indirect_dma semaphore(%arg16 : memref<!tpu.dma_semaphore, #tpu.memory_space<semaphore_mem>>) src(%dma_wait3A_1342 : memref<25076xf32, #tpu.memory_space<hbm>>) dst(%dma_wait3A_1338 : memref<512xf32, #tpu.memory_space<vmem>>)
    %dma_wait3A_1343 = arith.constant 0 : i32
    %dma_wait3A_1344 = tpu.memref_slice %arg12[%dma_wait3A_1343] : memref<4096xf32, #tpu.memory_space<vmem>> -> memref<512xf32, #tpu.memory_space<vmem>>
    %dma_wait3A_1345 = arith.constant 0 : i32
    %dma_wait3A_1346 = tpu.memref_slice %arg5[%dma_wait3A_1345] : memref<1380864xf32, #tpu.memory_space<hbm>> -> memref<172606xf32, #tpu.memory_space<hbm>>
    %dma_wait3A_1347 = arith.constant 0 : i32
    %dma_wait3A_1348 = tpu.memref_slice %dma_wait3A_1346[%dma_wait3A_1347] : memref<172606xf32, #tpu.memory_space<hbm>> -> memref<172606xf32, #tpu.memory_space<hbm>>
    tpu.wait_indirect_dma semaphore(%arg16 : memref<!tpu.dma_semaphore, #tpu.memory_space<semaphore_mem>>) src(%dma_wait3A_1348 : memref<172606xf32, #tpu.memory_space<hbm>>) dst(%dma_wait3A_1344 : memref<512xf32, #tpu.memory_space<vmem>>)
    %dma_wait3A_1349 = arith.constant 512 : i32
    %dma_wait3A_1350 = tpu.memref_slice %arg12[%dma_wait3A_1349] : memref<4096xf32, #tpu.memory_space<vmem>> -> memref<512xf32, #tpu.memory_space<vmem>>
    %dma_wait3A_1351 = arith.constant 172608 : i32
    %dma_wait3A_1352 = tpu.memref_slice %arg5[%dma_wait3A_1351] : memref<1380864xf32, #tpu.memory_space<hbm>> -> memref<172606xf32, #tpu.memory_space<hbm>>
    %dma_wait3A_1353 = arith.constant 0 : i32
    %dma_wait3A_1354 = tpu.memref_slice %dma_wait3A_1352[%dma_wait3A_1353] : memref<172606xf32, #tpu.memory_space<hbm>> -> memref<172606xf32, #tpu.memory_space<hbm>>
    tpu.wait_indirect_dma semaphore(%arg16 : memref<!tpu.dma_semaphore, #tpu.memory_space<semaphore_mem>>) src(%dma_wait3A_1354 : memref<172606xf32, #tpu.memory_space<hbm>>) dst(%dma_wait3A_1350 : memref<512xf32, #tpu.memory_space<vmem>>)
    %dma_wait3A_1355 = arith.constant 1024 : i32
    %dma_wait3A_1356 = tpu.memref_slice %arg12[%dma_wait3A_1355] : memref<4096xf32, #tpu.memory_space<vmem>> -> memref<512xf32, #tpu.memory_space<vmem>>
    %dma_wait3A_1357 = arith.constant 345216 : i32
    %dma_wait3A_1358 = tpu.memref_slice %arg5[%dma_wait3A_1357] : memref<1380864xf32, #tpu.memory_space<hbm>> -> memref<172606xf32, #tpu.memory_space<hbm>>
    %dma_wait3A_1359 = arith.constant 0 : i32
    %dma_wait3A_1360 = tpu.memref_slice %dma_wait3A_1358[%dma_wait3A_1359] : memref<172606xf32, #tpu.memory_space<hbm>> -> memref<172606xf32, #tpu.memory_space<hbm>>
    tpu.wait_indirect_dma semaphore(%arg16 : memref<!tpu.dma_semaphore, #tpu.memory_space<semaphore_mem>>) src(%dma_wait3A_1360 : memref<172606xf32, #tpu.memory_space<hbm>>) dst(%dma_wait3A_1356 : memref<512xf32, #tpu.memory_space<vmem>>)
    %dma_wait3A_1361 = arith.constant 1536 : i32
    %dma_wait3A_1362 = tpu.memref_slice %arg12[%dma_wait3A_1361] : memref<4096xf32, #tpu.memory_space<vmem>> -> memref<512xf32, #tpu.memory_space<vmem>>
    %dma_wait3A_1363 = arith.constant 517824 : i32
    %dma_wait3A_1364 = tpu.memref_slice %arg5[%dma_wait3A_1363] : memref<1380864xf32, #tpu.memory_space<hbm>> -> memref<172606xf32, #tpu.memory_space<hbm>>
    %dma_wait3A_1365 = arith.constant 0 : i32
    %dma_wait3A_1366 = tpu.memref_slice %dma_wait3A_1364[%dma_wait3A_1365] : memref<172606xf32, #tpu.memory_space<hbm>> -> memref<172606xf32, #tpu.memory_space<hbm>>
    tpu.wait_indirect_dma semaphore(%arg16 : memref<!tpu.dma_semaphore, #tpu.memory_space<semaphore_mem>>) src(%dma_wait3A_1366 : memref<172606xf32, #tpu.memory_space<hbm>>) dst(%dma_wait3A_1362 : memref<512xf32, #tpu.memory_space<vmem>>)
    %dma_wait3A_1367 = arith.constant 2048 : i32
    %dma_wait3A_1368 = tpu.memref_slice %arg12[%dma_wait3A_1367] : memref<4096xf32, #tpu.memory_space<vmem>> -> memref<512xf32, #tpu.memory_space<vmem>>
    %dma_wait3A_1369 = arith.constant 690432 : i32
    %dma_wait3A_1370 = tpu.memref_slice %arg5[%dma_wait3A_1369] : memref<1380864xf32, #tpu.memory_space<hbm>> -> memref<172606xf32, #tpu.memory_space<hbm>>
    %dma_wait3A_1371 = arith.constant 0 : i32
    %dma_wait3A_1372 = tpu.memref_slice %dma_wait3A_1370[%dma_wait3A_1371] : memref<172606xf32, #tpu.memory_space<hbm>> -> memref<172606xf32, #tpu.memory_space<hbm>>
    tpu.wait_indirect_dma semaphore(%arg16 : memref<!tpu.dma_semaphore, #tpu.memory_space<semaphore_mem>>) src(%dma_wait3A_1372 : memref<172606xf32, #tpu.memory_space<hbm>>) dst(%dma_wait3A_1368 : memref<512xf32, #tpu.memory_space<vmem>>)
    %dma_wait3A_1373 = arith.constant 2560 : i32
    %dma_wait3A_1374 = tpu.memref_slice %arg12[%dma_wait3A_1373] : memref<4096xf32, #tpu.memory_space<vmem>> -> memref<512xf32, #tpu.memory_space<vmem>>
    %dma_wait3A_1375 = arith.constant 863040 : i32
    %dma_wait3A_1376 = tpu.memref_slice %arg5[%dma_wait3A_1375] : memref<1380864xf32, #tpu.memory_space<hbm>> -> memref<172606xf32, #tpu.memory_space<hbm>>
    %dma_wait3A_1377 = arith.constant 0 : i32
    %dma_wait3A_1378 = tpu.memref_slice %dma_wait3A_1376[%dma_wait3A_1377] : memref<172606xf32, #tpu.memory_space<hbm>> -> memref<172606xf32, #tpu.memory_space<hbm>>
    tpu.wait_indirect_dma semaphore(%arg16 : memref<!tpu.dma_semaphore, #tpu.memory_space<semaphore_mem>>) src(%dma_wait3A_1378 : memref<172606xf32, #tpu.memory_space<hbm>>) dst(%dma_wait3A_1374 : memref<512xf32, #tpu.memory_space<vmem>>)
    %dma_wait3A_1379 = arith.constant 3072 : i32
    %dma_wait3A_1380 = tpu.memref_slice %arg12[%dma_wait3A_1379] : memref<4096xf32, #tpu.memory_space<vmem>> -> memref<512xf32, #tpu.memory_space<vmem>>
    %dma_wait3A_1381 = arith.constant 1035648 : i32
    %dma_wait3A_1382 = tpu.memref_slice %arg5[%dma_wait3A_1381] : memref<1380864xf32, #tpu.memory_space<hbm>> -> memref<172606xf32, #tpu.memory_space<hbm>>
    %dma_wait3A_1383 = arith.constant 0 : i32
    %dma_wait3A_1384 = tpu.memref_slice %dma_wait3A_1382[%dma_wait3A_1383] : memref<172606xf32, #tpu.memory_space<hbm>> -> memref<172606xf32, #tpu.memory_space<hbm>>
    tpu.wait_indirect_dma semaphore(%arg16 : memref<!tpu.dma_semaphore, #tpu.memory_space<semaphore_mem>>) src(%dma_wait3A_1384 : memref<172606xf32, #tpu.memory_space<hbm>>) dst(%dma_wait3A_1380 : memref<512xf32, #tpu.memory_space<vmem>>)
    %dma_wait3A_1385 = arith.constant 3584 : i32
    %dma_wait3A_1386 = tpu.memref_slice %arg12[%dma_wait3A_1385] : memref<4096xf32, #tpu.memory_space<vmem>> -> memref<512xf32, #tpu.memory_space<vmem>>
    %dma_wait3A_1387 = arith.constant 1208256 : i32
    %dma_wait3A_1388 = tpu.memref_slice %arg5[%dma_wait3A_1387] : memref<1380864xf32, #tpu.memory_space<hbm>> -> memref<172606xf32, #tpu.memory_space<hbm>>
    %dma_wait3A_1389 = arith.constant 0 : i32
    %dma_wait3A_1390 = tpu.memref_slice %dma_wait3A_1388[%dma_wait3A_1389] : memref<172606xf32, #tpu.memory_space<hbm>> -> memref<172606xf32, #tpu.memory_space<hbm>>
    tpu.wait_indirect_dma semaphore(%arg16 : memref<!tpu.dma_semaphore, #tpu.memory_space<semaphore_mem>>) src(%dma_wait3A_1390 : memref<172606xf32, #tpu.memory_space<hbm>>) dst(%dma_wait3A_1386 : memref<512xf32, #tpu.memory_space<vmem>>)
    %scan3A = arith.constant 0 : i32
    %scan3A_1391 = arith.constant 0 : i32
    %scan3A_1392 = arith.constant 32 : i32
    %scan3A_1393 = arith.addi %scan3A_1391, %scan3A_1392 : i32
    %scan3A_1394 = arith.constant 1 : i32
    %scan3A_1395 = scf.for %scan3A_1397 = %scan3A_1391 to %scan3A_1393 step %scan3A_1394 iter_args(%scan3A_1398 = %scan3A) -> (i32)  : i32 {
      %broadcast_in_dim3A_1399 = vector.broadcast %add3A_1294 : f32 to vector<16xf32>
      %mul3A_1400 = arith.constant 16 : i32
      %mul3A_1401 = arith.muli %scan3A_1397, %mul3A_1400 : i32
      %add3A_1402 = arith.constant 0 : i32
      %add3A_1403 = arith.addi %add3A_1402, %mul3A_1401 : i32
      %get3A_1404 = arith.index_cast %add3A_1403 : i32 to index
      %get3A_1405 = tpu.vector_load %arg11[%get3A_1404] {strides = array<i32>} : memref<4096xf32, #tpu.memory_space<vmem>>, vector<16xf32>,
      %mul3A_1406 = vector.broadcast %reduce_sum3A_837 : f32 to vector<16xf32>
      %mul3A_1407 = arith.mulf %get3A_1405, %mul3A_1406 : vector<16xf32>
      %add3A_1408 = arith.addf %broadcast_in_dim3A_1399, %mul3A_1407 : vector<16xf32>
      %mul3A_1409 = arith.constant 16 : i32
      %mul3A_1410 = arith.muli %scan3A_1397, %mul3A_1409 : i32
      %add3A_1411 = arith.constant 0 : i32
      %add3A_1412 = arith.addi %add3A_1411, %mul3A_1410 : i32
      %get3A_1413 = arith.index_cast %add3A_1412 : i32 to index
      %get3A_1414 = tpu.vector_load %arg12[%get3A_1413] {strides = array<i32>} : memref<4096xf32, #tpu.memory_space<vmem>>, vector<16xf32>,
      %mul3A_1415 = vector.broadcast %reduce_sum3A_1061 : f32 to vector<16xf32>
      %mul3A_1416 = arith.mulf %get3A_1414, %mul3A_1415 : vector<16xf32>
      %add3A_1417 = arith.addf %add3A_1408, %mul3A_1416 : vector<16xf32>
      %mul3A_1418 = arith.constant 16 : i32
      %mul3A_1419 = arith.muli %scan3A_1397, %mul3A_1418 : i32
      %add3A_1420 = arith.constant 512 : i32
      %add3A_1421 = arith.addi %add3A_1420, %mul3A_1419 : i32
      %get3A_1422 = arith.index_cast %add3A_1421 : i32 to index
      %get3A_1423 = tpu.vector_load %arg11[%get3A_1422] {strides = array<i32>} : memref<4096xf32, #tpu.memory_space<vmem>>, vector<16xf32>,
      %mul3A_1424 = vector.broadcast %reduce_sum3A_865 : f32 to vector<16xf32>
      %mul3A_1425 = arith.mulf %get3A_1423, %mul3A_1424 : vector<16xf32>
      %add3A_1426 = arith.addf %add3A_1417, %mul3A_1425 : vector<16xf32>
      %mul3A_1427 = arith.constant 16 : i32
      %mul3A_1428 = arith.muli %scan3A_1397, %mul3A_1427 : i32
      %add3A_1429 = arith.constant 512 : i32
      %add3A_1430 = arith.addi %add3A_1429, %mul3A_1428 : i32
      %get3A_1431 = arith.index_cast %add3A_1430 : i32 to index
      %get3A_1432 = tpu.vector_load %arg12[%get3A_1431] {strides = array<i32>} : memref<4096xf32, #tpu.memory_space<vmem>>, vector<16xf32>,
      %mul3A_1433 = vector.broadcast %reduce_sum3A_1089 : f32 to vector<16xf32>
      %mul3A_1434 = arith.mulf %get3A_1432, %mul3A_1433 : vector<16xf32>
      %add3A_1435 = arith.addf %add3A_1426, %mul3A_1434 : vector<16xf32>
      %mul3A_1436 = arith.constant 16 : i32
      %mul3A_1437 = arith.muli %scan3A_1397, %mul3A_1436 : i32
      %add3A_1438 = arith.constant 1024 : i32
      %add3A_1439 = arith.addi %add3A_1438, %mul3A_1437 : i32
      %get3A_1440 = arith.index_cast %add3A_1439 : i32 to index
      %get3A_1441 = tpu.vector_load %arg11[%get3A_1440] {strides = array<i32>} : memref<4096xf32, #tpu.memory_space<vmem>>, vector<16xf32>,
      %mul3A_1442 = vector.broadcast %reduce_sum3A_893 : f32 to vector<16xf32>
      %mul3A_1443 = arith.mulf %get3A_1441, %mul3A_1442 : vector<16xf32>
      %add3A_1444 = arith.addf %add3A_1435, %mul3A_1443 : vector<16xf32>
      %mul3A_1445 = arith.constant 16 : i32
      %mul3A_1446 = arith.muli %scan3A_1397, %mul3A_1445 : i32
      %add3A_1447 = arith.constant 1024 : i32
      %add3A_1448 = arith.addi %add3A_1447, %mul3A_1446 : i32
      %get3A_1449 = arith.index_cast %add3A_1448 : i32 to index
      %get3A_1450 = tpu.vector_load %arg12[%get3A_1449] {strides = array<i32>} : memref<4096xf32, #tpu.memory_space<vmem>>, vector<16xf32>,
      %mul3A_1451 = vector.broadcast %reduce_sum3A_1117 : f32 to vector<16xf32>
      %mul3A_1452 = arith.mulf %get3A_1450, %mul3A_1451 : vector<16xf32>
      %add3A_1453 = arith.addf %add3A_1444, %mul3A_1452 : vector<16xf32>
      %mul3A_1454 = arith.constant 16 : i32
      %mul3A_1455 = arith.muli %scan3A_1397, %mul3A_1454 : i32
      %add3A_1456 = arith.constant 1536 : i32
      %add3A_1457 = arith.addi %add3A_1456, %mul3A_1455 : i32
      %get3A_1458 = arith.index_cast %add3A_1457 : i32 to index
      %get3A_1459 = tpu.vector_load %arg11[%get3A_1458] {strides = array<i32>} : memref<4096xf32, #tpu.memory_space<vmem>>, vector<16xf32>,
      %mul3A_1460 = vector.broadcast %reduce_sum3A_921 : f32 to vector<16xf32>
      %mul3A_1461 = arith.mulf %get3A_1459, %mul3A_1460 : vector<16xf32>
      %add3A_1462 = arith.addf %add3A_1453, %mul3A_1461 : vector<16xf32>
      %mul3A_1463 = arith.constant 16 : i32
      %mul3A_1464 = arith.muli %scan3A_1397, %mul3A_1463 : i32
      %add3A_1465 = arith.constant 1536 : i32
      %add3A_1466 = arith.addi %add3A_1465, %mul3A_1464 : i32
      %get3A_1467 = arith.index_cast %add3A_1466 : i32 to index
      %get3A_1468 = tpu.vector_load %arg12[%get3A_1467] {strides = array<i32>} : memref<4096xf32, #tpu.memory_space<vmem>>, vector<16xf32>,
      %mul3A_1469 = vector.broadcast %reduce_sum3A_1145 : f32 to vector<16xf32>
      %mul3A_1470 = arith.mulf %get3A_1468, %mul3A_1469 : vector<16xf32>
      %add3A_1471 = arith.addf %add3A_1462, %mul3A_1470 : vector<16xf32>
      %mul3A_1472 = arith.constant 16 : i32
      %mul3A_1473 = arith.muli %scan3A_1397, %mul3A_1472 : i32
      %add3A_1474 = arith.constant 2048 : i32
      %add3A_1475 = arith.addi %add3A_1474, %mul3A_1473 : i32
      %get3A_1476 = arith.index_cast %add3A_1475 : i32 to index
      %get3A_1477 = tpu.vector_load %arg11[%get3A_1476] {strides = array<i32>} : memref<4096xf32, #tpu.memory_space<vmem>>, vector<16xf32>,
      %mul3A_1478 = vector.broadcast %reduce_sum3A_949 : f32 to vector<16xf32>
      %mul3A_1479 = arith.mulf %get3A_1477, %mul3A_1478 : vector<16xf32>
      %add3A_1480 = arith.addf %add3A_1471, %mul3A_1479 : vector<16xf32>
      %mul3A_1481 = arith.constant 16 : i32
      %mul3A_1482 = arith.muli %scan3A_1397, %mul3A_1481 : i32
      %add3A_1483 = arith.constant 2048 : i32
      %add3A_1484 = arith.addi %add3A_1483, %mul3A_1482 : i32
      %get3A_1485 = arith.index_cast %add3A_1484 : i32 to index
      %get3A_1486 = tpu.vector_load %arg12[%get3A_1485] {strides = array<i32>} : memref<4096xf32, #tpu.memory_space<vmem>>, vector<16xf32>,
      %mul3A_1487 = vector.broadcast %reduce_sum3A_1173 : f32 to vector<16xf32>
      %mul3A_1488 = arith.mulf %get3A_1486, %mul3A_1487 : vector<16xf32>
      %add3A_1489 = arith.addf %add3A_1480, %mul3A_1488 : vector<16xf32>
      %mul3A_1490 = arith.constant 16 : i32
      %mul3A_1491 = arith.muli %scan3A_1397, %mul3A_1490 : i32
      %add3A_1492 = arith.constant 2560 : i32
      %add3A_1493 = arith.addi %add3A_1492, %mul3A_1491 : i32
      %get3A_1494 = arith.index_cast %add3A_1493 : i32 to index
      %get3A_1495 = tpu.vector_load %arg11[%get3A_1494] {strides = array<i32>} : memref<4096xf32, #tpu.memory_space<vmem>>, vector<16xf32>,
      %mul3A_1496 = vector.broadcast %reduce_sum3A_977 : f32 to vector<16xf32>
      %mul3A_1497 = arith.mulf %get3A_1495, %mul3A_1496 : vector<16xf32>
      %add3A_1498 = arith.addf %add3A_1489, %mul3A_1497 : vector<16xf32>
      %mul3A_1499 = arith.constant 16 : i32
      %mul3A_1500 = arith.muli %scan3A_1397, %mul3A_1499 : i32
      %add3A_1501 = arith.constant 2560 : i32
      %add3A_1502 = arith.addi %add3A_1501, %mul3A_1500 : i32
      %get3A_1503 = arith.index_cast %add3A_1502 : i32 to index
      %get3A_1504 = tpu.vector_load %arg12[%get3A_1503] {strides = array<i32>} : memref<4096xf32, #tpu.memory_space<vmem>>, vector<16xf32>,
      %mul3A_1505 = vector.broadcast %reduce_sum3A_1201 : f32 to vector<16xf32>
      %mul3A_1506 = arith.mulf %get3A_1504, %mul3A_1505 : vector<16xf32>
      %add3A_1507 = arith.addf %add3A_1498, %mul3A_1506 : vector<16xf32>
      %mul3A_1508 = arith.constant 16 : i32
      %mul3A_1509 = arith.muli %scan3A_1397, %mul3A_1508 : i32
      %add3A_1510 = arith.constant 3072 : i32
      %add3A_1511 = arith.addi %add3A_1510, %mul3A_1509 : i32
      %get3A_1512 = arith.index_cast %add3A_1511 : i32 to index
      %get3A_1513 = tpu.vector_load %arg11[%get3A_1512] {strides = array<i32>} : memref<4096xf32, #tpu.memory_space<vmem>>, vector<16xf32>,
      %mul3A_1514 = vector.broadcast %reduce_sum3A_1005 : f32 to vector<16xf32>
      %mul3A_1515 = arith.mulf %get3A_1513, %mul3A_1514 : vector<16xf32>
      %add3A_1516 = arith.addf %add3A_1507, %mul3A_1515 : vector<16xf32>
      %mul3A_1517 = arith.constant 16 : i32
      %mul3A_1518 = arith.muli %scan3A_1397, %mul3A_1517 : i32
      %add3A_1519 = arith.constant 3072 : i32
      %add3A_1520 = arith.addi %add3A_1519, %mul3A_1518 : i32
      %get3A_1521 = arith.index_cast %add3A_1520 : i32 to index
      %get3A_1522 = tpu.vector_load %arg12[%get3A_1521] {strides = array<i32>} : memref<4096xf32, #tpu.memory_space<vmem>>, vector<16xf32>,
      %mul3A_1523 = vector.broadcast %reduce_sum3A_1229 : f32 to vector<16xf32>
      %mul3A_1524 = arith.mulf %get3A_1522, %mul3A_1523 : vector<16xf32>
      %add3A_1525 = arith.addf %add3A_1516, %mul3A_1524 : vector<16xf32>
      %mul3A_1526 = arith.constant 16 : i32
      %mul3A_1527 = arith.muli %scan3A_1397, %mul3A_1526 : i32
      %add3A_1528 = arith.constant 3584 : i32
      %add3A_1529 = arith.addi %add3A_1528, %mul3A_1527 : i32
      %get3A_1530 = arith.index_cast %add3A_1529 : i32 to index
      %get3A_1531 = tpu.vector_load %arg11[%get3A_1530] {strides = array<i32>} : memref<4096xf32, #tpu.memory_space<vmem>>, vector<16xf32>,
      %mul3A_1532 = vector.broadcast %reduce_sum3A_1033 : f32 to vector<16xf32>
      %mul3A_1533 = arith.mulf %get3A_1531, %mul3A_1532 : vector<16xf32>
      %add3A_1534 = arith.addf %add3A_1525, %mul3A_1533 : vector<16xf32>
      %mul3A_1535 = arith.constant 16 : i32
      %mul3A_1536 = arith.muli %scan3A_1397, %mul3A_1535 : i32
      %add3A_1537 = arith.constant 3584 : i32
      %add3A_1538 = arith.addi %add3A_1537, %mul3A_1536 : i32
      %get3A_1539 = arith.index_cast %add3A_1538 : i32 to index
      %get3A_1540 = tpu.vector_load %arg12[%get3A_1539] {strides = array<i32>} : memref<4096xf32, #tpu.memory_space<vmem>>, vector<16xf32>,
      %mul3A_1541 = vector.broadcast %reduce_sum3A_1257 : f32 to vector<16xf32>
      %mul3A_1542 = arith.mulf %get3A_1540, %mul3A_1541 : vector<16xf32>
      %add3A_1543 = arith.addf %add3A_1534, %mul3A_1542 : vector<16xf32>
      %sub3A = arith.subf %add3A_1543, %add3A_1543 : vector<16xf32>
      %exp3A = math.exp %sub3A : vector<16xf32>
      %div3A = arith.divf %exp3A, %exp3A : vector<16xf32>
      %mul3A_1544 = arith.constant 16 : i32
      %mul3A_1545 = arith.muli %scan3A_1397, %mul3A_1544 : i32
      %swap3A = arith.index_cast %mul3A_1545 : i32 to index
      %swap3A_1546 = tpu.vector_load %arg15[%swap3A] {strides = array<i32>} : memref<512xf32, #tpu.memory_space<vmem>>, vector<16xf32>,
      tpu.vector_store %arg15[%swap3A], %div3A {strides = array<i32>} : memref<512xf32, #tpu.memory_space<vmem>>, vector<16xf32>,
      %scan3A_1547 = arith.constant 0 : i32
      scf.yield %scan3A_1547 : i32
    }
    %scan3A_1396 = arith.constant 32 : i32
    "tpu.region"() ({
      %run_scoped3A = tpu.sem_alloc : memref<!tpu.dma_semaphore, #tpu.memory_space<semaphore_mem>>
      %dma_start3A_1397 = tpu.memref_slice %arg8[%mul3A_2] : memref<16384xf32, #tpu.memory_space<hbm>> -> memref<512xf32, #tpu.memory_space<hbm>>
      %dma_start3A_1398 = tpu.memref_slice %arg8[%mul3A_2] : memref<16384xf32, #tpu.memory_space<hbm>> -> memref<512xf32, #tpu.memory_space<hbm>>
      tpu.enqueue_dma source(%arg15 : memref<512xf32, #tpu.memory_space<vmem>>) target(%dma_start3A_1398 : memref<512xf32, #tpu.memory_space<hbm>>) target_semaphore(%run_scoped3A : memref<!tpu.dma_semaphore, #tpu.memory_space<semaphore_mem>>)
      %dma_wait3A_1399 = tpu.memref_slice %arg8[%mul3A_2] : memref<16384xf32, #tpu.memory_space<hbm>> -> memref<512xf32, #tpu.memory_space<hbm>>
      %dma_wait3A_1400 = tpu.memref_slice %arg8[%mul3A_2] : memref<16384xf32, #tpu.memory_space<hbm>> -> memref<512xf32, #tpu.memory_space<hbm>>
      tpu.wait_dma2 semaphore(%run_scoped3A : memref<!tpu.dma_semaphore, #tpu.memory_space<semaphore_mem>>) src(%arg15 : memref<512xf32, #tpu.memory_space<vmem>>) dst(%dma_wait3A_1400 : memref<512xf32, #tpu.memory_space<hbm>>)
      tpu.yield
    }) : () -> ()
    return
  }
}

</mosaic_0001>

<sc_bundles>
// kernel: kernel.3.cloned.1.call-start
scs
__scs_entry_jumppad:
0x0: {  	(pc) =	sbr.rel $0x88, $3  }
0x1: {  	(tag) =	ssettag $0x0;
	lr =	simm.s32 $0x1  }
0x2: {  	[smem:$0x3F97] =	sst lr;
	_ =	strace $0xD0000000  }
0x3: {  	_ = 	snop  }
0x4: {  	_ = 	snop  }
0x5: {  	_ = 	snop  }
0x6: {  	_ = 	snop  }
0x7: {  	_ = 	snop  }
__scs_overlays_trampoline_lowered:
0x8: {  	[smem:$0x3FA6] =	sst s0  }
0x9: {  	[smem:$0x3FA7] =	sst s1  }
0xa: {  	[smem:$0x3FA8] =	sst s2  }
0xb: {  	[smem:$0x3FA9] =	sst s3  }
0xc: {  	[smem:$0x3FAA] =	sst s4  }
0xd: {  	[smem:$0x3FAB] =	sst s5  }
0xe: {  	[smem:$0x3FAC] =	sst s6  }
0xf: {  	[smem:$0x3FAD] =	sst s7  }
0x10: {  	[smem:$0x3FAE] =	sst s8  }
0x11: {  	[smem:$0x3FAF] =	sst s9;
	s0 =	simm.s32 @!p0 $0x0  }
0x12: {  	s1 =	sld [smem:$0x3F95];
	s0 =	simm.s32 @p0 $0x1  }
0x13: {  	[smem:$0x3FB0] =	sst s0;
	s0 =	simm.s32 @!p1 $0x0  }
0x14: {  	s2 =	sld [smem:$0x3F94];
	s0 =	simm.s32 @p1 $0x1  }
0x15: {  	[smem:$0x3FB1] =	sst s0;
	s0 =	simm.s32 @!p2 $0x0  }
0x16: {  	s3 =	sld [smem:$0x3FDB];
	s0 =	simm.s32 @p2 $0x1  }
0x17: {  	s4 =	simm.s32 $0x1BF5;
	[smem:$0x3FB3] =	sst s0  }
0x18: {  	s0 =	sld [smem:$0x3F96];
	_ =	swait.ge [sflag:s4], $0x0  }
0x19: {  	s7 =	sld [smem:$0x3F97]  }
0x1a: {  	s8 =	sadd.s32 $0xFFFFE003, lr  }
0x1b: {  	s9 =	sadd.s32 $0xFFFFFEF7, lr;
	s5 =	simm.s32 $0xFFFFFFFF;
	p2 =	slt.u32 s8, $0xFFFFF086  }
0x1c: {  	p1 =	slt.u32 s9, $0xF7A;
	s5 =	simm.s32 @!p2 $0x0  }
0x1d: {  	s5 =	simm.s32 @p1 $0x1;
	p0 =	seq.s32 s7, s2  }
0x1e: {  	s7 =	smul.u32 @!p0 $0xF7A, s2;
	p2 =	seq.s32 @!p0 s5, $0x0  }
0x1f: {  	s9 =	smul.u32 $0xF7A, s1;
	s8 =	simm.s32 @!p0 $0x1BF5;
	p2 =	por !p2, p0  }
0x20: {  	[sflag:s8] =	ssyncset.s32 @!p0 $0xFFFFF086;
	s6 =	sadd.s32 @!p0 s3, s7;
	s7 =	simm.s32 @!p0 $0x108  }
0x21: {  	s3 =	sadd.s32 s3, s9;
	s6 =	sadd.s32 @!p0 $0x88, s6;
	s7 =	simm.s32 @p2 $0x1082  }
0x22: {  	[simem:s7], [sflag:s8] =	dma.local @!p0 [hbm:s6], $0xF7A  }
0x23: {  	s9 =	sor.u32 $0xD0000000, s2;
	s6 =	simm.s32 $0x108;
	_ =	swait.ge @!p0 [sflag:s8], $0x0  }
0x24: {  	s3 =	sadd.s32 $0x88, s3;
	s6 =	simm.s32 @!p1 $0x1082;
	[sflag:s4] =	ssyncset.s32 $0xFFFFF086  }
0x25: {  	[simem:s6], [sflag:s4] =	dma.local [hbm:s3], $0xF7A  }
0x26: {  	[smem:$0x3F97] =	sst s1;
	(tag) =	ssettag s2;
	_ =	strace s9  }
0x27: {  	s1 =	sld [smem:$0x3FA7]  }
0x28: {  	s2 =	sld [smem:$0x3FA8]  }
0x29: {  	s4 =	sld [smem:$0x3FAA]  }
0x2a: {  	p0 =	seq.s32 s5, $0x0;
	s5 =	sld [smem:$0x3FAB]  }
0x2b: {  	s6 =	sld [smem:$0x3FAC]  }
0x2c: {  	s7 =	sld [smem:$0x3FAD]  }
0x2d: {  	s3 =	simm.s32 $0x108;
	s8 =	sld [smem:$0x3FAE]  }
0x2e: {  	s3 =	simm.s32 @!p0 $0x1082;
	s9 =	sld [smem:$0x3FAF]  }
0x2f: {  	lr =	sadd.s32 s0, s3;
	s0 =	sld [smem:$0x3FA6]  }
0x30: {  	s3 =	sld [smem:$0x3FA9]  }
0x31: {  	[smem:$0x3FB2] =	sst s10  }
0x32: {  	s10 =	sld [smem:$0x3FB0];
	_ =	sdelay $0x3  }
0x33: {  	p0 =	seq.s32 s10, $0x1;
	s10 =	sld [smem:$0x3FB2];
	_ =	sdelay $0x3  }
0x34: {  	[smem:$0x3FB2] =	sst s10  }
0x35: {  	s10 =	sld [smem:$0x3FB1];
	_ =	sdelay $0x3  }
0x36: {  	p1 =	seq.s32 s10, $0x1;
	s10 =	sld [smem:$0x3FB2];
	_ =	sdelay $0x3  }
0x37: {  	[smem:$0x3FB2] =	sst s10  }
0x38: {  	s10 =	sld [smem:$0x3FB3]  }
0x39: {  	_ = 	snop;
	(pc) =	sbr.ind lr, $3  }
0x3a: {  	_ = 	snop  }
0x3b: {  	_ = 	snop  }
0x3c: {  	p2 =	seq.s32 s10, $0x1;
	s10 =	sld [smem:$0x3FB2]  }
0x3d: {  	_ =	shalt  }
0x3e: {  	_ =	shalt  }
0x3f: {  	_ =	shalt  }
0x40: {  	_ =	shalt  }
0x41: {  	_ =	shalt  }
0x42: {  	_ =	shalt  }
0x43: {  	_ =	shalt  }
0x44: {  	_ =	shalt  }
0x45: {  	_ =	shalt  }
0x46: {  	_ =	shalt  }
0x47: {  	_ =	shalt  }
0x48: {  	_ =	shalt  }
0x49: {  	_ =	shalt  }
0x4a: {  	_ =	shalt  }
0x4b: {  	_ =	shalt  }
0x4c: {  	_ =	shalt  }
0x4d: {  	_ =	shalt  }
0x4e: {  	_ =	shalt  }
0x4f: {  	_ =	shalt  }
0x50: {  	_ =	shalt  }
0x51: {  	_ =	shalt  }
0x52: {  	_ =	shalt  }
0x53: {  	_ =	shalt  }
0x54: {  	_ =	shalt  }
0x55: {  	_ =	shalt  }
0x56: {  	_ =	shalt  }
0x57: {  	_ =	shalt  }
0x58: {  	_ =	shalt  }
0x59: {  	_ =	shalt  }
0x5a: {  	_ =	shalt  }
0x5b: {  	_ =	shalt  }
0x5c: {  	_ =	shalt  }
0x5d: {  	_ =	shalt  }
0x5e: {  	_ =	shalt  }
0x5f: {  	_ =	shalt  }
0x60: {  	_ =	shalt  }
0x61: {  	_ =	shalt  }
0x62: {  	_ =	shalt  }
0x63: {  	_ =	shalt  }
0x64: {  	_ =	shalt  }
0x65: {  	_ =	shalt  }
0x66: {  	_ =	shalt  }
0x67: {  	_ =	shalt  }
0x68: {  	_ =	shalt  }
0x69: {  	_ =	shalt  }
0x6a: {  	_ =	shalt  }
0x6b: {  	_ =	shalt  }
0x6c: {  	_ =	shalt  }
0x6d: {  	_ =	shalt  }
0x6e: {  	_ =	shalt  }
0x6f: {  	_ =	shalt  }
0x70: {  	_ =	shalt  }
0x71: {  	_ =	shalt  }
0x72: {  	_ =	shalt  }
0x73: {  	_ =	shalt  }
0x74: {  	_ =	shalt  }
0x75: {  	_ =	shalt  }
0x76: {  	_ =	shalt  }
0x77: {  	_ =	shalt  }
0x78: {  	_ =	shalt  }
0x79: {  	_ =	shalt  }
0x7a: {  	_ =	shalt  }
0x7b: {  	_ =	shalt  }
0x7c: {  	_ =	shalt  }
0x7d: {  	_ =	shalt  }
0x7e: {  	_ =	shalt  }
0x7f: {  	_ =	shalt  }
0x80: {  	_ =	shalt  }
0x81: {  	_ =	shalt  }
0x82: {  	_ =	shalt  }
0x83: {  	_ =	shalt  }
0x84: {  	_ =	shalt  }
0x85: {  	_ =	shalt  }
0x86: {  	_ =	shalt  }
0x87: {  	_ =	shalt  }
.Lfunc_end0:
.L_simem_size_0:
called_computation_lowered:
.L_overlay_start_0:
0x88: {  	s2 =	sld [smem:$0x3FD9]  }
0x89: {  	s3 =	sld [smem:$0x3FFE];
	_ =	sdelay $0x1  }
0x8a: {  	s1 =	srdreg.scid  }
0x8b: {  	s0 =	sand.u32 $0x1, s1  }
0x8c: {  	s17 =	sshll.u32 s0, $0xA;
	s2 =	sadd.s32 s3, s2  }
0x8d: {  	s2 =	sadd.s32 s2, s17  }
0x8e: {  	[smem:$0x3FBE] =	sst s2  }
0x8f: {  	_ = 	snop  }
0x90: {  	s2 =	sld [smem:$0x3FC9]  }
0x91: {  	s18 =	sld [smem:$0x3FC8]  }
0x92: {  	s4 =	sld [smem:$0x3FC5]  }
0x93: {  	s5 =	sld [smem:$0x3FD0];
	(tm) =	ssettm $0x1  }
0x94: {  	s6 =	sld [smem:$0x3FFB];
	_ =	sdelay $0x3  }
0x95: {  	_ =	strace s6  }
0x96: {  	s6 =	sld [smem:$0x3FFC];
	_ =	sdelay $0x3  }
0x97: {  	_ =	strace s6  }
0x98: {  	s6 =	sld [smem:$0x3FFD];
	_ =	sdelay $0x3  }
0x99: {  	_ =	strace s6  }
0x9a: {  	_ =	strace $0x8FFFFFFF  }
0x9b: {  	s19 =	sld [smem:$0x3FDB];
	_ =	sdelay $0x1  }
0x9c: {  	s7 =	simm.s32 $_scs_section_size  }
0x9d: {  	s8 =	simm.s32 $_size__tile_overlayer_lowered;
	s9 =	simm.s32 $_tile_overlayer_lowered  }
0x9e: {  	s22 =	simm.s32 $0x1BFF;
	s21 =	sshll.u32 s9, $0x1;
	s6 =	sadd.s32 s7, s19  }
0x9f: {  	s10 =	simm.s32 $0x0;
	s20 =	sshll.u32 s8, $0x1;
	s8 =	sadd.s32 s21, s6  }
0xa0: {  	[timem:s10], [sflag:s22] =	dma.local [hbm:s8], s20  }
0xa1: {  	_ =	swait.ge [sflag:s22], s20  }
0xa2: {  	s7 =	ssub.s32 $0x0, s20;
	[sflag:s22] =	ssyncset.done $0x0  }
0xa3: {  	[sflag:s22] =	ssyncadd.s32 s7;
	_ =	sdelay $0x1  }
0xa4: {  	s23 =	simm.s32 $0x1B8B  }
0xa5: {  	_ =	swait.ge [sflag:s23], $0x1  }
0xa6: {  	[sflag:s23] =	ssyncset.done $0x0  }
0xa7: {  	s25 =	simm.s32 $0x1B8E;
	s24 =	sld [smem:$0x3FFE];
	[sflag:s23] =	ssyncadd.s32 $0xFFFFFFFF  }
0xa8: {  	s26 =	simm.s32 $execute0_lowered;
	[smem:$0x3FD2] =	sst s25  }
0xa9: {  	s8 =	sshll.u32 s26, $0x1;
	_ =	strace $0x80000046;
	[dreg:$0x1] =	wrdreg $0xFFFFFFFF  }
0xaa: {  	s28 =	simm.s32 $_size_execute0_lowered;
	s6 =	sadd.s32 s6, s8;
	[dreg:$0x0] =	wrdreg $0x0  }
0xab: {  	s8 =	sshll.u32 s28, $0x1;
	[dreg:$0x2] =	wrdreg s6  }
0xac: {  	[dreg:$0x3] =	wrdreg s8  }
0xad: {  	[dreg:$0x4] =	wrdreg $0xC0  }
0xae: {  	_ =	task [dreg:s10], $0x5FFFF  }
0xaf: {  	[dreg:$0x1] =	wrdreg $0xFFFFFFFF  }
0xb0: {  	[dreg:$0x0] =	wrdreg $0x60  }
0xb1: {  	[dreg:$0x2] =	wrdreg s2  }
0xb2: {  	[dreg:$0x3] =	wrdreg s18  }
0xb3: {  	[dreg:$0x4] =	wrdreg s24  }
0xb4: {  	[dreg:$0x5] =	wrdreg s4  }
0xb5: {  	[dreg:$0x6] =	wrdreg s5  }
0xb6: {  	[dreg:$0x7] =	wrdreg $0x9  }
0xb7: {  	_ =	task.clear_ibuf [dreg:s10], $0x8FFFF;
	_ =	strace $0x90000046  }
0xb8: {  	s29 =	simm.s32 $0x9;
	_ =	strace $0x80000048  }
0xb9: {  	_ =	swait.ge [sflag:s29], $0x1  }
0xba: {  	[sflag:s29] =	ssyncadd.s32 $0xFFFFFFFF  }
0xbb: {  	_ =	strace $0x90000048  }
0xbc: {  	_ =	sfence  }
0xbd: {  	s30 =	sld [smem:$0x0];
	_ =	sdelay $0x2  }
0xbe: {  	s31 =	sshll.u32 s1, $0xD;
	s1 =	sshrl.u32 s1, $0x2  }
0xbf: {  	s3 =	sand.u32 $0x4000, s31;
	s1 =	sadd.s32 s1, s30  }
0xc0: {  	s0 =	sor.u32 s3, s0;
	s1 =	sshll.u32 s1, $0x11  }
0xc1: {  	s0 =	sor.u32 s1, s0  }
0xc2: {  	s0 =	sadd.s32 $0x8F2B, s0  }
0xc3: {  	[sflag:s0] =	ssyncadd.remote.s32 $0x1  }
0xc4: {  	_ =	sfence.sel $0xFFFF  }
0xc5: {  	[dreg:$0x0] =	wrdreg $0xFFFFFFFF;
	(pc) =	sbr.abs _section_cstart, $3  }
0xc6: {  	[dreg:$0x1] =	wrdreg $0xFFFFFFFF  }
0xc7: {  	_ =	task.clear_ibuf [dreg:s10], $0x2FFFF;
	_ =	strace $0x9FFFFFFF  }
0xc8: {  	(tm) =	ssettm $0x7FFFFFFF  }
0xc9: {  	_ =	shalt  }
tec
execute0_lowered:
.L_overlay_start_1:
0x0: {  	(tag) =	ssettag $0x1  }
0x1: {  	s0 =	rddreg [dreg:$0x0]  }
0x2: {  	s1 =	rddreg [dreg:$0x1]  }
0x3: {  	s3 =	rddreg [dreg:$0x2]  }
0x4: {  	s4 =	rddreg [dreg:$0x4];
	s2 =	simm.s32 $0x0  }
0x5: {  	s5 =	srdreg.scid;
	s31 =	stileid.u32;
	s25 =	simm.s32 $0x200  }
0x6: {  	s29 =	simm.s32 $0x2;
	s26 =	simm.s32 $0x0;
	[smem:$0x7FF] =	sst s2  }
0x7: {  	s6 =	sadd.s32 $0x2B200, s3;
	s5 =	sand.u32 $0x1, s5;
	s30 =	sadd.s32 $0xE00, s3  }
0x8: {  	s9 =	sshll.u32 s31, $0x7;
	s10 =	sadd.s32 $0x2CA7E, s3;
	s11 =	sadd.s32 $0x2D6BD, s3  }
0x9: {  	s12 =	sadd.s32 $0x2E2FC, s3;
	s13 =	sadd.s32 $0x2EF3B, s3;
	s14 =	sadd.s32 $0x2FB7A, s3  }
0xa: {  	s15 =	sadd.s32 $0x307B9, s3;
	s16 =	sadd.s32 $0x6248, s3;
	s17 =	sadd.s32 $0xB690, s3  }
0xb: {  	s18 =	sadd.s32 $0x10AD8, s3;
	s19 =	sadd.s32 $0x15F20, s3;
	s20 =	sadd.s32 $0x1B368, s3  }
0xc: {  	s21 =	sadd.s32 $0x207B0, s3;
	_ =	strace $0x80000047;
	[dreg:$0x6] =	wrdreg s6  }
0xd: {  	s22 =	sadd.s32 $0x25BF8, s3;
	[dreg:$0x7] =	wrdreg s30;
	s7 =	ssub.s32 $0x2, s5  }
0xe: {  	s5 =	sshll.u32 s5, $0x6;
	s6 =	sadd.s32 $0x31400, s3;
	s8 =	sshrl.u32 s7, $0x1  }
0xf: {  	s5 =	sor.u32 s5, s9;
	s9 =	sadd.s32 $0x2BE3F, s3;
	s24 =	ssub.s32 s7, s8  }
0x10: {  	s7 =	sadd.s32 s0, s5;
	s8 =	sadd.s32 s1, s5;
	s23 =	sadd.s32 s4, s5  }
0x11: {  	s0 =	simm.s32 $0x1;
	s1 =	simm.s32 $0x3;
	s24 =	smax.u32 s24, $0x1  }
.LBB2_1:
0x12: {  	[tilespmem:s2], [sflag:$0x2] =	stream.linear.gather [hbm4b:s7+s2], $0x200, $0x38;
	[tilespmem:$0x3700] =	vst v63  }
0x13: {  	_ = 	snop  }
0x14: {  	[tilespmem:s25], [sflag:$0x2] =	stream.linear.gather [hbm4b:s8+s2], $0x200, $0x38;
	[tilespmem:$0x3700] =	vst v63  }
0x15: {  	s3 =	simm.s32 $0x2400  }
0x16: {  	[tilespmem:s3], [sflag:$0x2] =	stream.linear.gather [hbm4b:s6+s2], $0x900, $0x38;
	[tilespmem:$0x3700] =	vst v63  }
0x17: {  	s5 =	rddreg [dreg:$0x3];
	s4 =	simm.s32 $0x2D00  }
0x18: {  	[tilespmem:s4], [sflag:$0x2] =	stream.linear.gather [hbm4b:s5+s2], $0x800, $0x38;
	[tilespmem:$0x3700] =	vst v63  }
0x19: {  	_ =	swait.ge [sflag:s29], $0x200  }
0x1a: {  	[sflag:s29] =	ssyncset.done $0x0  }
0x1b: {  	s5 =	simm.s32 $0x400;
	s4 =	rddreg [dreg:$0x6];
	[sflag:s29] =	ssyncadd.s32 $0xFFFFFE00  }
0x1c: {  	[tilespmem:s5], [sflag:$0x1] =	stream.indirect.gather [hbm4b:s4+s25], $0x1, s2, s25, $0xb8;
	[tilespmem:$0x3700] =	vst v63  }
0x1d: {  	s5 =	simm.s32 $0x600  }
0x1e: {  	[tilespmem:s5], [sflag:$0x1] =	stream.indirect.gather [hbm4b:s9+s25], $0x1, s2, s25, $0xb8;
	[tilespmem:$0x3700] =	vst v63  }
0x1f: {  	s4 =	simm.s32 $0x800  }
0x20: {  	[tilespmem:s4], [sflag:$0x1] =	stream.indirect.gather [hbm4b:s10+s25], $0x1, s2, s25, $0xb8;
	[tilespmem:$0x3700] =	vst v63  }
0x21: {  	s5 =	simm.s32 $0xA00  }
0x22: {  	[tilespmem:s5], [sflag:$0x1] =	stream.indirect.gather [hbm4b:s11+s25], $0x1, s2, s25, $0xb8;
	[tilespmem:$0x3700] =	vst v63  }
0x23: {  	s4 =	simm.s32 $0xC00  }
0x24: {  	[tilespmem:s4], [sflag:$0x1] =	stream.indirect.gather [hbm4b:s12+s25], $0x1, s2, s25, $0xb8;
	[tilespmem:$0x3700] =	vst v63  }
0x25: {  	s5 =	simm.s32 $0xE00  }
0x26: {  	[tilespmem:s5], [sflag:$0x1] =	stream.indirect.gather [hbm4b:s13+s25], $0x1, s2, s25, $0xb8;
	[tilespmem:$0x3700] =	vst v63  }
0x27: {  	s4 =	simm.s32 $0x1000  }
0x28: {  	[tilespmem:s4], [sflag:$0x1] =	stream.indirect.gather [hbm4b:s14+s25], $0x1, s2, s25, $0xb8;
	[tilespmem:$0x3700] =	vst v63  }
0x29: {  	s5 =	simm.s32 $0x1200  }
0x2a: {  	[tilespmem:s5], [sflag:$0x1] =	stream.indirect.gather [hbm4b:s15+s25], $0x1, s2, s25, $0xb8;
	[tilespmem:$0x3700] =	vst v63  }
0x2b: {  	_ =	swait.ge [sflag:s29], $0x200  }
0x2c: {  	[sflag:s29] =	ssyncset.done $0x0  }
0x2d: {  	s5 =	simm.s32 $0x1400;
	s4 =	rddreg [dreg:$0x7];
	[sflag:s29] =	ssyncadd.s32 $0xFFFFFE00  }
0x2e: {  	[tilespmem:s5], [sflag:$0x1] =	stream.indirect.gather [hbm4b:s4+s25], $0x1, s25, s25, $0xb8;
	[tilespmem:$0x3700] =	vst v63  }
0x2f: {  	s5 =	simm.s32 $0x1600  }
0x30: {  	[tilespmem:s5], [sflag:$0x1] =	stream.indirect.gather [hbm4b:s16+s25], $0x1, s25, s25, $0xb8;
	[tilespmem:$0x3700] =	vst v63  }
0x31: {  	s4 =	simm.s32 $0x1800  }
0x32: {  	[tilespmem:s4], [sflag:$0x1] =	stream.indirect.gather [hbm4b:s17+s25], $0x1, s25, s25, $0xb8;
	[tilespmem:$0x3700] =	vst v63  }
0x33: {  	s5 =	simm.s32 $0x1A00  }
0x34: {  	[tilespmem:s5], [sflag:$0x1] =	stream.indirect.gather [hbm4b:s18+s25], $0x1, s25, s25, $0xb8;
	[tilespmem:$0x3700] =	vst v63  }
0x35: {  	s4 =	simm.s32 $0x1C00  }
0x36: {  	[tilespmem:s4], [sflag:$0x1] =	stream.indirect.gather [hbm4b:s19+s25], $0x1, s25, s25, $0xb8;
	[tilespmem:$0x3700] =	vst v63  }
0x37: {  	s5 =	simm.s32 $0x1E00  }
0x38: {  	[tilespmem:s5], [sflag:$0x1] =	stream.indirect.gather [hbm4b:s20+s25], $0x1, s25, s25, $0xb8;
	[tilespmem:$0x3700] =	vst v63  }
0x39: {  	s4 =	simm.s32 $0x2000  }
0x3a: {  	[tilespmem:s4], [sflag:$0x1] =	stream.indirect.gather [hbm4b:s21+s25], $0x1, s25, s25, $0xb8;
	[tilespmem:$0x3700] =	vst v63  }
0x3b: {  	s5 =	simm.s32 $0x2200  }
0x3c: {  	[tilespmem:s5], [sflag:$0x1] =	stream.indirect.gather [hbm4b:s22+s25], $0x1, s25, s25, $0xb8;
	[tilespmem:$0x3700] =	vst v63  }
0x3d: {  	_ =	swait.ge [sflag:s29], $0x900  }
0x3e: {  	[sflag:s29] =	ssyncset.done $0x0  }
0x3f: {  	[sflag:s29] =	ssyncadd.s32 $0xFFFFF700  }
0x40: {  	_ =	swait.ge [sflag:s29], $0x800  }
0x41: {  	[sflag:s29] =	ssyncset.done $0x0  }
0x42: {  	[sflag:s29] =	ssyncadd.s32 $0xFFFFF800  }
0x43: {  	v6 =	vld [tilespmem:$0x2C60]  }
0x44: {  	v7 =	vld [tilespmem:$0x2C70]  }
0x45: {  	v2 =	vld [tilespmem:$0x2400]  }
0x46: {  	v4 =	vld [tilespmem:$0x2410]  }
0x47: {  	v8 =	vld [tilespmem:$0x2420]  }
0x48: {  	v9 =	vld [tilespmem:$0x2430]  }
0x49: {  	v10 =	vld [tilespmem:$0x2440]  }
0x4a: {  	v11 =	vld [tilespmem:$0x2450]  }
0x4b: {  	v15 =	vld [tilespmem:$0x2460]  }
0x4c: {  	v16 =	vld [tilespmem:$0x2470]  }
0x4d: {  	v17 =	vld [tilespmem:$0x2480]  }
0x4e: {  	v18 =	vld [tilespmem:$0x2490]  }
0x4f: {  	v20 =	vld [tilespmem:$0x24A0]  }
0x50: {  	v21 =	vld [tilespmem:$0x24B0]  }
0x51: {  	v22 =	vld [tilespmem:$0x24C0]  }
0x52: {  	v23 =	vld [tilespmem:$0x24D0]  }
0x53: {  	v27 =	vld [tilespmem:$0x24E0]  }
0x54: {  	v28 =	vld [tilespmem:$0x24F0]  }
0x55: {  	v29 =	vld [tilespmem:$0x2500]  }
0x56: {  	v30 =	vld [tilespmem:$0x2510]  }
0x57: {  	v32 =	vld [tilespmem:$0x2520]  }
0x58: {  	v33 =	vld [tilespmem:$0x2530]  }
0x59: {  	v34 =	vld [tilespmem:$0x2540]  }
0x5a: {  	v35 =	vld [tilespmem:$0x2550]  }
0x5b: {  	v39 =	vld [tilespmem:$0x2560]  }
0x5c: {  	v41 =	vld [tilespmem:$0x2570]  }
0x5d: {  	v54 =	vld [tilespmem:$0x2580]  }
0x5e: {  	v55 =	vld [tilespmem:$0x2590]  }
0x5f: {  	v56 =	vld [tilespmem:$0x25A0]  }
0x60: {  	v57 =	vld [tilespmem:$0x25B0]  }
0x61: {  	v58 =	vld [tilespmem:$0x25C0]  }
0x62: {  	v59 =	vld [tilespmem:$0x25D0]  }
0x63: {  	v60 =	vld [tilespmem:$0x25E0]  }
0x64: {  	v61 =	vld [tilespmem:$0x25F0]  }
0x65: {  	v62 =	vld [tilespmem:$0x2600]  }
0x66: {  	v63 =	vld [tilespmem:$0x2610]  }
0x67: {  	v40 =	vld [tilespmem:$0x2620]  }
0x68: {  	v42 =	vld [tilespmem:$0x2630]  }
0x69: {  	v53 =	vld [tilespmem:$0x2640]  }
0x6a: {  	v44 =	vld [tilespmem:$0x2650]  }
0x6b: {  	v46 =	vld [tilespmem:$0x2660]  }
0x6c: {  	v45 =	vld [tilespmem:$0x2670]  }
0x6d: {  	v52 =	vld [tilespmem:$0x2680]  }
0x6e: {  	v1 =	vld [tilespmem:$0x27A0]  }
0x6f: {  	v3 =	vld [tilespmem:$0x27C0]  }
0x70: {  	v47 =	vld [tilespmem:$0x2690]  }
0x71: {  	v51 =	vld [tilespmem:$0x26A0]  }
0x72: {  	v49 =	vld [tilespmem:$0x26B0];
	v0 =	vbroadcast v6, $0x0  }
0x73: {  	[tilespmem:$0x1FFA0] =	vst v1;
	v1 =	vld [tilespmem:$0x27B0]  }
0x74: {  	[tilespmem:$0x1FFC0] =	vst v3;
	v3 =	vmul.f32 v4, v0;
	v4 =	vld [tilespmem:$0x27D0]  }
0x75: {  	v50 =	vld [tilespmem:$0x26C0]  }
0x76: {  	v48 =	vld [tilespmem:$0x26D0]  }
0x77: {  	v43 =	vld [tilespmem:$0x26E0]  }
0x78: {  	v5 =	vld [tilespmem:$0x27F0];
	[tilespmem:$0x1FFB0] =	vst v1  }
0x79: {  	v2 =	vmul.f32 v2, v0;
	v1 =	vbroadcast v6, $0x1;
	[tilespmem:$0x1FFD0] =	vst v4;
	v4 =	vld [tilespmem:$0x27E0]  }
0x7a: {  	v37 =	vld [tilespmem:$0x26F0]  }
0x7b: {  	v38 =	vld [tilespmem:$0x2700];
	v2 =	vadd.f32 $0.0e+00, v2;
	v10 =	vmul.f32 v10, v1  }
0x7c: {  	v36 =	vld [tilespmem:$0x2710];
	v3 =	vadd.f32 $0.0e+00, v3;
	v11 =	vmul.f32 v11, v1  }
0x7d: {  	v31 =	vld [tilespmem:$0x2720];
	[tilespmem:$0x1FFF0] =	vst v5;
	v9 =	vmul.f32 v9, v0;
	v5 =	vadd.f32 v10, v2  }
0x7e: {  	v25 =	vld [tilespmem:$0x2730];
	v3 =	vadd.f32 v11, v3;
	[tilespmem:$0x1FFE0] =	vst v4;
	v4 =	vmul.f32 v8, v0;
	v0 =	vbroadcast v6, $0x2  }
0x7f: {  	v26 =	vld [tilespmem:$0x2740];
	v11 =	vmul.f32 v15, v1;
	v2 =	vmul.f32 v16, v1;
	v15 =	vadd.f32 $0.0e+00, v9  }
0x80: {  	v24 =	vld [tilespmem:$0x2750];
	v4 =	vadd.f32 $0.0e+00, v4;
	v16 =	vmul.f32 v17, v0  }
0x81: {  	v19 =	vld [tilespmem:$0x2760];
	v1 =	vbroadcast v6, $0x3;
	v2 =	vadd.f32 v2, v15;
	v17 =	vmul.f32 v18, v0  }
0x82: {  	v13 =	vld [tilespmem:$0x2770];
	v4 =	vadd.f32 v11, v4;
	v5 =	vadd.f32 v16, v5;
	v16 =	vmul.f32 v20, v0  }
0x83: {  	v14 =	vld [tilespmem:$0x2780];
	v18 =	vmul.f32 v22, v1;
	v3 =	vadd.f32 v17, v3;
	v0 =	vmul.f32 v21, v0  }
0x84: {  	v12 =	vld [tilespmem:$0x2790];
	v20 =	vmul.f32 v23, v1;
	v23 =	vbroadcast v6, $0x4;
	v4 =	vadd.f32 v16, v4  }
0x85: {  	v10 =	vld [tilespmem:$0x2810];
	v0 =	vadd.f32 v0, v2;
	v2 =	vadd.f32 v18, v5;
	v5 =	vmul.f32 v27, v1  }
0x86: {  	v9 =	vld [tilespmem:$0x2820];
	v3 =	vadd.f32 v20, v3;
	v1 =	vmul.f32 v28, v1;
	v21 =	vmul.f32 v29, v23  }
0x87: {  	v15 =	vld [tilespmem:$0x2840];
	v28 =	vbroadcast v6, $0x5;
	v4 =	vadd.f32 v5, v4;
	v5 =	vmul.f32 v30, v23  }
0x88: {  	v8 =	vld [tilespmem:$0x2800];
	v0 =	vadd.f32 v1, v0;
	v1 =	vadd.f32 v21, v2;
	v2 =	vmul.f32 v32, v23  }
0x89: {  	v22 =	vld [tilespmem:$0x2890];
	v3 =	vadd.f32 v5, v3;
	v5 =	vmul.f32 v33, v23  }
0x8a: {  	v11 =	vld [tilespmem:$0x2830];
	v29 =	vmul.f32 v34, v28;
	v2 =	vadd.f32 v2, v4;
	v4 =	vmul.f32 v35, v28  }
0x8b: {  	v17 =	vld [tilespmem:$0x2850];
	v33 =	vbroadcast v6, $0x6;
	v0 =	vadd.f32 v5, v0;
	v5 =	vmul.f32 v39, v28  }
0x8c: {  	v16 =	vld [tilespmem:$0x2860];
	v1 =	vadd.f32 v29, v1;
	v3 =	vadd.f32 v4, v3;
	v4 =	vmul.f32 v41, v28  }
0x8d: {  	v18 =	vld [tilespmem:$0x2870];
	v54 =	vmul.f32 v54, v33;
	v2 =	vadd.f32 v5, v2;
	v5 =	vmul.f32 v55, v33  }
0x8e: {  	v20 =	vld [tilespmem:$0x2880];
	v39 =	vbroadcast v6, $0x7;
	v0 =	vadd.f32 v4, v0;
	v4 =	vmul.f32 v56, v33  }
0x8f: {  	v27 =	vld [tilespmem:$0x28C0];
	v3 =	vadd.f32 v5, v3;
	v5 =	vmul.f32 v57, v33  }
0x90: {  	v21 =	vld [tilespmem:$0x28A0];
	v1 =	vadd.f32 v54, v1;
	v2 =	vadd.f32 v4, v2;
	v4 =	vmul.f32 v59, v39  }
0x91: {  	v30 =	vld [tilespmem:$0x28F0];
	v54 =	vbroadcast v6, $0x8;
	v0 =	vadd.f32 v5, v0;
	v5 =	vmul.f32 v60, v39  }
0x92: {  	v32 =	vld [tilespmem:$0x2900];
	v3 =	vadd.f32 v4, v3;
	v4 =	vmul.f32 v61, v39  }
0x93: {  	v34 =	vld [tilespmem:$0x2910];
	v61 =	vmul.f32 v62, v54;
	v2 =	vadd.f32 v5, v2;
	v5 =	vmul.f32 v63, v54  }
0x94: {  	v23 =	vld [tilespmem:$0x28B0];
	v62 =	vbroadcast v6, $0x9;
	v0 =	vadd.f32 v4, v0;
	v4 =	vmul.f32 v40, v54  }
0x95: {  	v29 =	vld [tilespmem:$0x28D0];
	v3 =	vadd.f32 v5, v3;
	v5 =	vmul.f32 v42, v54  }
0x96: {  	v35 =	vld [tilespmem:$0x2930];
	v58 =	vmul.f32 v58, v39;
	v2 =	vadd.f32 v4, v2;
	v4 =	vmul.f32 v44, v62  }
0x97: {  	v28 =	vld [tilespmem:$0x28E0];
	v63 =	vbroadcast v6, $0xA;
	v0 =	vadd.f32 v5, v0;
	v5 =	vmul.f32 v46, v62  }
0x98: {  	v41 =	vld [tilespmem:$0x2950];
	v3 =	vadd.f32 v4, v3;
	v4 =	vmul.f32 v45, v62  }
0x99: {  	v55 =	vld [tilespmem:$0x2D10];
	v1 =	vadd.f32 v58, v1;
	v2 =	vadd.f32 v5, v2;
	v5 =	vmul.f32 v47, v63  }
0x9a: {  	v56 =	vbroadcast v6, $0xB;
	v33 =	vld [tilespmem:$0x2920];
	v0 =	vadd.f32 v4, v0;
	v4 =	vmul.f32 v51, v63  }
0x9b: {  	v39 =	vld [tilespmem:$0x2940];
	v1 =	vadd.f32 v61, v1;
	v3 =	vadd.f32 v5, v3;
	v5 =	vmul.f32 v49, v63  }
0x9c: {  	v40 =	vld [tilespmem:$0x2960];
	v53 =	vmul.f32 v53, v62;
	v2 =	vadd.f32 v4, v2;
	v4 =	vmul.f32 v48, v56  }
0x9d: {  	v57 =	vbroadcast v6, $0xC;
	v42 =	vld [tilespmem:$0x2970];
	v0 =	vadd.f32 v5, v0;
	v5 =	vmul.f32 v43, v56  }
0x9e: {  	v44 =	vld [tilespmem:$0x2980];
	v1 =	vadd.f32 v53, v1;
	v3 =	vadd.f32 v4, v3;
	v4 =	vmul.f32 v37, v56  }
0x9f: {  	v52 =	vmul.f32 v52, v63;
	v46 =	vld [tilespmem:$0x2990];
	v2 =	vadd.f32 v5, v2;
	v5 =	vmul.f32 v36, v57  }
0xa0: {  	v58 =	vbroadcast v6, $0xD;
	v45 =	vld [tilespmem:$0x29A0];
	v0 =	vadd.f32 v4, v0;
	v4 =	vmul.f32 v31, v57  }
0xa1: {  	v50 =	vmul.f32 v50, v56;
	v1 =	vadd.f32 v52, v1;
	v52 =	vld [tilespmem:$0x2D00];
	v3 =	vadd.f32 v5, v3  }
0xa2: {  	v47 =	vld [tilespmem:$0x29B0];
	v5 =	vmul.f32 v25, v57;
	v2 =	vadd.f32 v4, v2;
	v4 =	vmul.f32 v24, v58  }
0xa3: {  	v38 =	vmul.f32 v38, v57;
	v51 =	vld [tilespmem:$0x29C0];
	v1 =	vadd.f32 v50, v1  }
0xa4: {  	v49 =	vld [tilespmem:$0x29D0];
	v0 =	vadd.f32 v5, v0;
	v3 =	vadd.f32 v4, v3;
	v4 =	vmul.f32 v13, v58  }
0xa5: {  	v59 =	vbroadcast v6, $0xE;
	v26 =	vmul.f32 v26, v58;
	v48 =	vld [tilespmem:$0x29E0];
	v1 =	vadd.f32 v38, v1  }
0xa6: {  	v4 =	vadd.f32 v4, v0;
	v0 =	vld [tilespmem:$0x1FFA0]  }
0xa7: {  	v14 =	vmul.f32 v14, v59;
	v43 =	vld [tilespmem:$0x29F0];
	v1 =	vadd.f32 v26, v1  }
0xa8: {  	v37 =	vld [tilespmem:$0x2A00]  }
0xa9: {  	v14 =	vadd.f32 v14, v1;
	v1 =	vld [tilespmem:$0x1FFB0];
	v5 =	vmul.f32 v19, v58  }
0xaa: {  	v36 =	vld [tilespmem:$0x2A10]  }
0xab: {  	v31 =	vld [tilespmem:$0x2A20];
	v2 =	vadd.f32 v5, v2;
	v60 =	vmul.f32 v0, v59  }
0xac: {  	v25 =	vld [tilespmem:$0x2A30]  }
0xad: {  	v50 =	vadd.f32 v60, v2;
	v2 =	vld [tilespmem:$0x1FFD0]  }
0xae: {  	v38 =	vmul.f32 v1, v59;
	v1 =	vld [tilespmem:$0x1FFC0]  }
0xaf: {  	v24 =	vld [tilespmem:$0x2A40]  }
0xb0: {  	v26 =	vbroadcast v6, $0xF;
	v19 =	vld [tilespmem:$0x2A50]  }
0xb1: {  	v63 =	vbroadcast v7, $0x0;
	v38 =	vadd.f32 v38, v4;
	v4 =	vld [tilespmem:$0x1FFF0]  }
0xb2: {  	v5 =	vmul.f32 v12, v59;
	v62 =	vmul.f32 v2, v26;
	v2 =	vld [tilespmem:$0x1FFE0]  }
0xb3: {  	v13 =	vld [tilespmem:$0x2A60];
	v58 =	vbroadcast v7, $0x1;
	v61 =	vmul.f32 v1, v26  }
0xb4: {  	v10 =	vmul.f32 v10, v63;
	v11 =	vmul.f32 v11, v63;
	v12 =	vld [tilespmem:$0x2A70];
	v5 =	vadd.f32 v5, v3  }
0xb5: {  	v15 =	vmul.f32 v15, v58;
	v17 =	vmul.f32 v17, v58;
	v3 =	vld [tilespmem:$0x2AA0];
	v14 =	vadd.f32 v61, v14  }
0xb6: {  	v1 =	vld [tilespmem:$0x2A90];
	v61 =	vbroadcast v7, $0x6;
	v53 =	vadd.f32 v62, v5;
	v5 =	vmul.f32 v4, v26  }
0xb7: {  	v0 =	vld [tilespmem:$0x2A80];
	v57 =	vmul.f32 v2, v26;
	v26 =	vmul.f32 v8, v63  }
0xb8: {  	v18 =	vmul.f32 v18, v58;
	v4 =	vld [tilespmem:$0x2AC0];
	v62 =	vmul.f32 v44, v61  }
0xb9: {  	v44 =	vld [tilespmem:$0x2FB0];
	v50 =	vadd.f32 v57, v50;
	v14 =	vadd.f32 v26, v14;
	v26 =	vmul.f32 v9, v63  }
0xba: {  	v59 =	vbroadcast v7, $0x2;
	v38 =	vadd.f32 v5, v38;
	v5 =	vld [tilespmem:$0x2AE0];
	v10 =	vadd.f32 v10, v53  }
0xbb: {  	v53 =	vld [tilespmem:$0x2B00];
	v26 =	vadd.f32 v26, v50;
	v14 =	vadd.f32 v15, v14;
	v15 =	vmul.f32 v16, v58  }
0xbc: {  	v20 =	vmul.f32 v20, v59;
	v22 =	vmul.f32 v22, v59;
	v2 =	vld [tilespmem:$0x2AB0];
	v11 =	vadd.f32 v11, v38  }
0xbd: {  	v8 =	vld [tilespmem:$0x2AD0];
	v17 =	vadd.f32 v17, v10;
	v15 =	vadd.f32 v15, v26;
	v26 =	vbroadcast v7, $0x3  }
0xbe: {  	v38 =	vld [tilespmem:$0x2B20];
	v11 =	vadd.f32 v18, v11;
	v18 =	vmul.f32 v21, v59  }
0xbf: {  	v10 =	vld [tilespmem:$0x2B30];
	v17 =	vadd.f32 v22, v17;
	v14 =	vadd.f32 v20, v14;
	v22 =	vmul.f32 v27, v26  }
0xc0: {  	v9 =	vld [tilespmem:$0x2AF0];
	v21 =	vmul.f32 v23, v59;
	v15 =	vadd.f32 v18, v15;
	v18 =	vmul.f32 v29, v26  }
0xc1: {  	v57 =	vld [tilespmem:$0x2D20];
	v27 =	vbroadcast v7, $0x4;
	v14 =	vadd.f32 v22, v14;
	v22 =	vmul.f32 v28, v26  }
0xc2: {  	v23 =	vld [tilespmem:$0x2B50];
	v21 =	vadd.f32 v21, v11;
	v17 =	vadd.f32 v18, v17;
	v18 =	vmul.f32 v30, v26  }
0xc3: {  	v59 =	vld [tilespmem:$0x2D80];
	v15 =	vadd.f32 v22, v15;
	v22 =	vmul.f32 v34, v27  }
0xc4: {  	v60 =	vbroadcast v7, $0x5;
	v16 =	vld [tilespmem:$0x2B10];
	v18 =	vadd.f32 v18, v21;
	v21 =	vmul.f32 v33, v27  }
0xc5: {  	v63 =	vbroadcast v7, $0x7;
	v50 =	vld [tilespmem:$0x2BF0];
	v17 =	vadd.f32 v22, v17;
	v22 =	vmul.f32 v35, v27  }
0xc6: {  	v58 =	vld [tilespmem:$0x2D30];
	v26 =	vmul.f32 v32, v27;
	v15 =	vadd.f32 v21, v15;
	v21 =	vmul.f32 v41, v60  }
0xc7: {  	v54 =	vmul.f32 v51, v63;
	v51 =	vld [tilespmem:$0x3110];
	v18 =	vadd.f32 v22, v18;
	v22 =	vmul.f32 v40, v60  }
0xc8: {  	v11 =	vld [tilespmem:$0x2B70];
	v14 =	vadd.f32 v26, v14;
	v17 =	vadd.f32 v21, v17;
	v21 =	vmul.f32 v42, v60  }
0xc9: {  	v20 =	vld [tilespmem:$0x2B40];
	v27 =	vmul.f32 v39, v60;
	v15 =	vadd.f32 v22, v15;
	v22 =	vmul.f32 v46, v61  }
0xca: {  	v56 =	vbroadcast v7, $0x8;
	v29 =	vld [tilespmem:$0x2B60];
	v18 =	vadd.f32 v21, v18;
	v21 =	vmul.f32 v45, v61  }
0xcb: {  	v28 =	vld [tilespmem:$0x2B80];
	v14 =	vadd.f32 v27, v14;
	v17 =	vadd.f32 v22, v17;
	v22 =	vmul.f32 v47, v61  }
0xcc: {  	v37 =	vmul.f32 v37, v56;
	v32 =	vld [tilespmem:$0x2B90];
	v15 =	vadd.f32 v21, v15;
	v21 =	vmul.f32 v49, v63  }
0xcd: {  	v26 =	vld [tilespmem:$0x2BA0];
	v14 =	vadd.f32 v62, v14;
	v18 =	vadd.f32 v22, v18;
	v22 =	vmul.f32 v48, v63  }
0xce: {  	v33 =	vld [tilespmem:$0x2BB0];
	v60 =	vbroadcast v7, $0x9;
	v17 =	vadd.f32 v21, v17;
	v21 =	vmul.f32 v43, v63  }
0xcf: {  	v35 =	vld [tilespmem:$0x2BC0];
	v14 =	vadd.f32 v54, v14;
	v15 =	vadd.f32 v22, v15;
	v22 =	vmul.f32 v36, v56  }
0xd0: {  	v39 =	vld [tilespmem:$0x2BE0];
	v24 =	vmul.f32 v24, v60;
	v18 =	vadd.f32 v21, v18;
	v21 =	vmul.f32 v31, v56  }
0xd1: {  	v27 =	vld [tilespmem:$0x2BD0];
	v19 =	vmul.f32 v19, v60;
	v14 =	vadd.f32 v37, v14;
	v17 =	vadd.f32 v22, v17  }
0xd2: {  	v62 =	vld [tilespmem:$0x2DA0];
	v22 =	vmul.f32 v25, v56;
	v15 =	vadd.f32 v21, v15;
	v21 =	vbroadcast v7, $0xA  }
0xd3: {  	v13 =	vmul.f32 v13, v60;
	v12 =	vmul.f32 v12, v60;
	v46 =	vld [tilespmem:$0x3080];
	v14 =	vadd.f32 v24, v14  }
0xd4: {  	v60 =	vld [tilespmem:$0x3430];
	v18 =	vadd.f32 v22, v18;
	v17 =	vadd.f32 v19, v17;
	v0 =	vmul.f32 v0, v21  }
0xd5: {  	v61 =	vld [tilespmem:$0x2D90];
	v13 =	vadd.f32 v13, v15;
	v1 =	vmul.f32 v1, v21;
	v15 =	vbroadcast v7, $0xB  }
0xd6: {  	v47 =	vld [tilespmem:$0x3090];
	v3 =	vmul.f32 v3, v21;
	v2 =	vmul.f32 v2, v21;
	v12 =	vadd.f32 v12, v18  }
0xd7: {  	v54 =	vld [tilespmem:$0x32B0];
	v0 =	vadd.f32 v0, v14;
	v1 =	vadd.f32 v1, v17;
	v4 =	vmul.f32 v4, v15  }
0xd8: {  	v63 =	vld [tilespmem:$0x2E00];
	v3 =	vadd.f32 v3, v13;
	v8 =	vmul.f32 v8, v15;
	v13 =	vbroadcast v7, $0xC  }
0xd9: {  	v48 =	vld [tilespmem:$0x30A0];
	v2 =	vadd.f32 v2, v12;
	v0 =	vadd.f32 v4, v0;
	v4 =	vmul.f32 v5, v15  }
0xda: {  	v24 =	vld [tilespmem:$0x2E30];
	v1 =	vadd.f32 v8, v1;
	v5 =	vmul.f32 v9, v15;
	v8 =	vmul.f32 v53, v13  }
0xdb: {  	v25 =	vld [tilespmem:$0x2DB0];
	v15 =	vbroadcast v7, $0xD;
	v3 =	vadd.f32 v4, v3;
	v4 =	vmul.f32 v16, v13  }
0xdc: {  	v22 =	vld [tilespmem:$0x2E10];
	v2 =	vadd.f32 v5, v2;
	v0 =	vadd.f32 v8, v0;
	v5 =	vmul.f32 v38, v13  }
0xdd: {  	v19 =	vld [tilespmem:$0x2E20];
	v1 =	vadd.f32 v4, v1;
	v4 =	vmul.f32 v20, v15;
	v20 =	vbroadcast v7, $0xE  }
0xde: {  	v21 =	vld [tilespmem:$0x2F30];
	v3 =	vadd.f32 v5, v3;
	v5 =	vmul.f32 v10, v13;
	v10 =	vmul.f32 v23, v15  }
0xdf: {  	v14 =	vld [tilespmem:$0x2E80];
	v23 =	vbroadcast v7, $0xF;
	v0 =	vadd.f32 v4, v0;
	v4 =	vmul.f32 v28, v20  }
0xe0: {  	v17 =	vld [tilespmem:$0x2E90];
	v2 =	vadd.f32 v5, v2;
	v1 =	vadd.f32 v10, v1;
	v5 =	vmul.f32 v29, v15  }
0xe1: {  	v18 =	vld [tilespmem:$0x2EA0];
	v29 =	vmul.f32 v35, v23;
	v0 =	vadd.f32 v4, v0;
	v4 =	vmul.f32 v32, v20  }
0xe2: {  	v9 =	vld [tilespmem:$0x2F00];
	v11 =	vmul.f32 v11, v15;
	v3 =	vadd.f32 v5, v3  }
0xe3: {  	v13 =	vld [tilespmem:$0x2F80];
	v1 =	vadd.f32 v4, v1;
	v5 =	vadd.f32 v29, v0;
	v0 =	vmul.f32 v27, v23  }
0xe4: {  	v12 =	vld [tilespmem:$0x2EB0];
	v15 =	vmul.f32 v26, v20;
	v2 =	vadd.f32 v11, v2;
	v11 =	vmul.f32 v33, v20  }
0xe5: {  	v16 =	vld [tilespmem:$0x2F10];
	v4 =	vadd.f32 v0, v1;
	v0 =	vmul.f32 v39, v23;
	v1 =	vmul.f32 v52, v5  }
0xe6: {  	v8 =	vld [tilespmem:$0x2F20];
	v3 =	vadd.f32 v15, v3;
	v29 =	vmul.f32 v59, v5;
	v49 =	vmul.f32 v63, v5  }
0xe7: {  	v28 =	vld [tilespmem:$0x2F90];
	v11 =	vadd.f32 v11, v2;
	v14 =	vmul.f32 v14, v5;
	v9 =	vmul.f32 v9, v5  }
0xe8: {  	v10 =	vld [tilespmem:$0x2FA0];
	v13 =	vmul.f32 v13, v5;
	v2 =	vadd.f32 v0, v3;
	v0 =	vadd.f32 $0.0e+00, v1  }
0xe9: {  	v26 =	vld [tilespmem:$0x3000];
	v1 =	vmul.f32 v55, v4;
	v3 =	vmul.f32 v50, v23;
	v23 =	vadd.f32 $0.0e+00, v29  }
0xea: {  	v20 =	vld [tilespmem:$0x3030];
	v29 =	vmul.f32 v61, v4;
	v22 =	vmul.f32 v22, v4;
	v14 =	vadd.f32 $0.0e+00, v14  }
0xeb: {  	v27 =	vld [tilespmem:$0x3010];
	v17 =	vmul.f32 v17, v4;
	v9 =	vadd.f32 $0.0e+00, v9;
	v16 =	vmul.f32 v16, v4  }
0xec: {  	v15 =	vld [tilespmem:$0x3020];
	v13 =	vadd.f32 $0.0e+00, v13;
	v53 =	vmul.f32 v47, v4;
	v0 =	vadd.f32 v1, v0  }
0xed: {  	v52 =	vld [tilespmem:$0x31A0];
	v1 =	vmul.f32 v57, v2;
	v3 =	vadd.f32 v3, v11;
	v11 =	vadd.f32 v29, v23  }
0xee: {  	v59 =	vld [tilespmem:$0x3410];
	v23 =	vmul.f32 v62, v2;
	v19 =	vmul.f32 v19, v2;
	v14 =	vadd.f32 v17, v14  }
0xef: {  	v50 =	vld [tilespmem:$0x30B0];
	v17 =	vmul.f32 v18, v2;
	v9 =	vadd.f32 v16, v9;
	v8 =	vmul.f32 v8, v2  }
0xf0: {  	v55 =	vld [tilespmem:$0x3300];
	v10 =	vmul.f32 v10, v2;
	v56 =	vmul.f32 v48, v2;
	v0 =	vadd.f32 v1, v0  }
0xf1: {  	v29 =	vld [tilespmem:$0x3100];
	v1 =	vadd.f32 $0.0e+00, v49;
	v34 =	vmul.f32 v58, v3;
	v11 =	vadd.f32 v23, v11  }
0xf2: {  	v18 =	vld [tilespmem:$0x31B0];
	v23 =	vmul.f32 v25, v3;
	v24 =	vmul.f32 v24, v3;
	v14 =	vadd.f32 v17, v14  }
0xf3: {  	v57 =	vld [tilespmem:$0x3310];
	v17 =	vmul.f32 v28, v4;
	v12 =	vmul.f32 v12, v3;
	v8 =	vadd.f32 v8, v9  }
0xf4: {  	v16 =	vld [tilespmem:$0x3200];
	v9 =	vmul.f32 v26, v5;
	v1 =	vadd.f32 v22, v1;
	v0 =	vadd.f32 v34, v0  }
0xf5: {  	v25 =	vld [tilespmem:$0x3120];
	v21 =	vmul.f32 v21, v3;
	v11 =	vadd.f32 v23, v11;
	v13 =	vadd.f32 v17, v13  }
0xf6: {  	v26 =	vld [tilespmem:$0x3220];
	v20 =	vmul.f32 v20, v3;
	v12 =	vadd.f32 v12, v14;
	v9 =	vadd.f32 $0.0e+00, v9  }
0xf7: {  	v22 =	vld [tilespmem:$0x3130];
	v14 =	vmul.f32 v27, v4;
	v8 =	vadd.f32 v21, v8;
	v18 =	vmul.f32 v18, v3  }
0xf8: {  	v23 =	vld [tilespmem:$0x3180];
	v33 =	vmul.f32 v57, v4;
	v1 =	vadd.f32 v19, v1;
	v10 =	vadd.f32 v10, v13  }
0xf9: {  	v17 =	vld [tilespmem:$0x3230];
	v9 =	vadd.f32 v14, v9;
	v14 =	vmul.f32 v15, v2;
	v15 =	vmul.f32 v29, v5  }
0xfa: {  	v21 =	vld [tilespmem:$0x3290];
	v13 =	vmul.f32 v46, v5;
	v29 =	vmul.f32 v44, v3;
	v1 =	vadd.f32 v24, v1  }
0xfb: {  	v19 =	vld [tilespmem:$0x3190];
	v9 =	vadd.f32 v14, v9;
	v14 =	vadd.f32 $0.0e+00, v15;
	v15 =	vmul.f32 v51, v4  }
0xfc: {  	v24 =	vld [tilespmem:$0x3210];
	v13 =	vadd.f32 $0.0e+00, v13;
	v10 =	vadd.f32 v29, v10;
	v29 =	vmul.f32 v50, v3  }
0xfd: {  	v28 =	vld [tilespmem:$0x32A0];
	v22 =	vmul.f32 v22, v3;
	v14 =	vadd.f32 v15, v14;
	v15 =	vmul.f32 v25, v2  }
0xfe: {  	v27 =	vld [tilespmem:$0x3280];
	v13 =	vadd.f32 v53, v13;
	v9 =	vadd.f32 v20, v9;
	v20 =	vmul.f32 v23, v5  }
0xff: {  	v58 =	vld [tilespmem:$0x3390];
	v17 =	vmul.f32 v17, v3;
	v14 =	vadd.f32 v15, v14;
	v15 =	vmul.f32 v16, v5  }
0x100: {  	v25 =	vld [tilespmem:$0x3320];
	v19 =	vmul.f32 v19, v4;
	v13 =	vadd.f32 v56, v13;
	v20 =	vadd.f32 $0.0e+00, v20  }
0x101: {  	v21 =	vmul.f32 v21, v4;
	v16 =	vld [tilespmem:$0x3380];
	v24 =	vmul.f32 v24, v4;
	v15 =	vadd.f32 $0.0e+00, v15  }
0x102: {  	v23 =	vld [tilespmem:$0x3330];
	v13 =	vadd.f32 v29, v13;
	v19 =	vadd.f32 v19, v20;
	v20 =	vmul.f32 v52, v2  }
0x103: {  	v29 =	vld [tilespmem:$0x33A0];
	v15 =	vadd.f32 v24, v15;
	v24 =	vmul.f32 v26, v2;
	v26 =	vmul.f32 v27, v5  }
0x104: {  	(xrf2) =	vadd.scan.msk.f32 $0xffff, v0;
	v14 =	vadd.f32 v22, v14;
	v27 =	vld [tilespmem:$0x3400];
	v19 =	vadd.f32 v20, v19;
	v20 =	vmul.f32 v55, v5  }
0x105: {  	(xrf2) =	vadd.scan.msk.f32 $0xffff, v11;
	v22 =	vld [tilespmem:$0x33B0];
	v11 =	vmul.f32 v25, v2;
	v15 =	vadd.f32 v24, v15;
	v24 =	vadd.f32 $0.0e+00, v26  }
0x106: {  	v25 =	vld [tilespmem:$0x2C00];
	v16 =	vmul.f32 v16, v5;
	v20 =	vadd.f32 $0.0e+00, v20;
	v18 =	vadd.f32 v18, v19  }
0x107: {  	v19 =	vmul.f32 v28, v2;
	v15 =	vadd.f32 v17, v15;
	v17 =	vld [tilespmem:$0x3480];
	v0 =	vadd.f32 v21, v24  }
0x108: {  	(xrf2) =	vadd.scan.msk.f32 $0xffff, v1;
	v1 =	vmul.f32 v54, v3;
	v16 =	vadd.f32 $0.0e+00, v16;
	v20 =	vadd.f32 v33, v20;
	v21 =	vld [tilespmem:$0x3490]  }
0x109: {  	v26 =	vld [tilespmem:$0x3420];
	v24 =	vmul.f32 v58, v4;
	v0 =	vadd.f32 v19, v0;
	v19 =	vmul.f32 v27, v5  }
0x10a: {  	(xrf2) =	vadd.scan.msk.f32 $0xffff, v12;
	v12 =	vmul.f32 v23, v3;
	v23 =	vmul.f32 v59, v4;
	v11 =	vadd.f32 v11, v20;
	v20 =	vld [tilespmem:$0x2C10]  }
0x10b: {  	(xrf2) =	vadd.scan.msk.f32 $0xffff, v8;
	v8 =	vmul.f32 v29, v2;
	v27 =	vld [tilespmem:$0x34A0];
	v16 =	vadd.f32 v24, v16;
	v19 =	vadd.f32 $0.0e+00, v19  }
0x10c: {  	(xrf2) =	vadd.scan.msk.f32 $0xffff, v10;
	v24 =	vld [tilespmem:$0x34B0];
	v0 =	vadd.f32 v1, v0;
	v10 =	vmul.f32 v17, v5;
	v5 =	vmul.f32 v25, v5  }
0x10d: {  	(xrf2) =	vadd.scan.msk.f32 $0xffff, v9;
	v1 =	vadd.f32 v12, v11;
	v11 =	vld [tilespmem:$0x2C20];
	v8 =	vadd.f32 v8, v16;
	v16 =	vmul.f32 v21, v4  }
0x10e: {  	(xrf2) =	vadd.scan.msk.f32 $0xffff, v13;
	v13 =	vmul.f32 v26, v2;
	v12 =	vld [tilespmem:$0x2C30];
	v9 =	vadd.f32 v23, v19;
	v5 =	vadd.f32 $0.0e+00, v5  }
0x10f: {  	(xrf2) =	vadd.scan.msk.f32 $0xffff, v14;
	v17 =	vld [tilespmem:$0x2C40];
	v10 =	vadd.f32 $0.0e+00, v10;
	v4 =	vmul.f32 v20, v4  }
0x110: {  	v14 =	vmul.f32 v22, v3;
	(xrf2) =	vadd.scan.msk.f32 $0xffff, v18;
	v19 =	vld [tilespmem:$0x2C50];
	v9 =	vadd.f32 v13, v9  }
0x111: {  	v13 =	vmul.f32 v27, v2;
	v10 =	vadd.f32 v16, v10;
	v16, _, _ =	vpop (xrf2);
	(xrf2) =	vadd.scan.msk.f32 $0xffff, v15;
	v4 =	vadd.f32 v4, v5  }
0x112: {  	v15 =	vmul.f32 v60, v3;
	v2 =	vmul.f32 v11, v2;
	v5, _, _ =	vpop (xrf2);
	(xrf2) =	vadd.scan.msk.f32 $0xffff, v0;
	v0 =	vadd.f32 v14, v8  }
0x113: {  	v8 =	vadd.f32 v13, v10;
	v10 =	vmul.f32 v24, v3;
	v3 =	vmul.f32 v12, v3  }
0x114: {  	v6 =	vmul.f32 v17, v6;
	v18, _, _ =	vpop (xrf2);
	(xrf2) =	vadd.scan.msk.f32 $0xffff, v1;
	v1 =	vadd.f32 v15, v9  }
0x115: {  	v2 =	vadd.f32 v2, v4;
	v7 =	vmul.f32 v19, v7;
	v4, _, _ =	vpop (xrf2);
	(xrf2) =	vadd.scan.msk.f32 $0xffff, v0;
	v0 =	vadd.f32 v10, v8  }
0x116: {  	v17, _, _ =	vpop (xrf2);
	(xrf2) =	vadd.scan.msk.f32 $0xffff, v1  }
0x117: {  	v1 =	vadd.f32 v3, v2;
	v3, _, _ =	vpop (xrf2);
	(xrf2) =	vadd.scan.msk.f32 $0xffff, v0;
	v0 =	vadd.f32 v7, v6;
	_ =	sdelay $0x1  }
0x118: {  	v7, _, _ =	vpop (xrf2);
	(xrf2) =	vadd.scan.msk.f32 $0xffff, v1  }
0x119: {  	v11, _, _ =	vpop (xrf2);
	(xrf2) =	vadd.scan.msk.f32 $0xffff, v0  }
0x11a: {  	v0, _, _ =	vpop (xrf2)  }
0x11b: {  	v1, _, _ =	vpop (xrf2)  }
0x11c: {  	v2, _, _ =	vpop (xrf2)  }
0x11d: {  	v19, _, _ =	vpop (xrf2)  }
0x11e: {  	v20, _, _ =	vpop (xrf2)  }
0x11f: {  	v21, _, _ =	vpop (xrf2)  }
0x120: {  	v6 =	vld [tilespmem:$0x2C80];
	v8, _, _ =	vpop (xrf2)  }
0x121: {  	v13, _, _ =	vpop (xrf2)  }
0x122: {  	v9, _, _ =	vpop (xrf2)  }
0x123: {  	(v2sf) =	vpush v9, $0xF;
	v9, _, _ =	vpop (xrf2)  }
0x124: {  	(v2sf) =	vpush v9, $0xF  }
0x125: {  	(v2sf) =	vpush v6, $0x0;
	_ =	sdelay $0xc  }
0x126: {  	s3 =	spop (v2sf)  }
0x127: {  	s4 =	spop (v2sf)  }
0x128: {  	s5 =	spop (v2sf)  }
0x129: {  	_ =	swait.ge [sflag:s0], $0x200  }
0x12a: {  	[sflag:s0] =	ssyncset.done $0x0  }
0x12b: {  	[sflag:s0] =	ssyncadd.s32 $0xFFFFFE00  }
0x12c: {  	_ =	swait.ge [sflag:s0], $0x200  }
0x12d: {  	[sflag:s0] =	ssyncset.done $0x0  }
0x12e: {  	[sflag:s0] =	ssyncadd.s32 $0xFFFFFE00  }
0x12f: {  	_ =	swait.ge [sflag:s0], $0x200  }
0x130: {  	[sflag:s0] =	ssyncset.done $0x0  }
0x131: {  	[sflag:s0] =	ssyncadd.s32 $0xFFFFFE00  }
0x132: {  	_ =	swait.ge [sflag:s0], $0x200  }
0x133: {  	[sflag:s0] =	ssyncset.done $0x0  }
0x134: {  	[sflag:s0] =	ssyncadd.s32 $0xFFFFFE00  }
0x135: {  	_ =	swait.ge [sflag:s0], $0x200  }
0x136: {  	[sflag:s0] =	ssyncset.done $0x0  }
0x137: {  	[sflag:s0] =	ssyncadd.s32 $0xFFFFFE00  }
0x138: {  	_ =	swait.ge [sflag:s0], $0x200  }
0x139: {  	[sflag:s0] =	ssyncset.done $0x0  }
0x13a: {  	[sflag:s0] =	ssyncadd.s32 $0xFFFFFE00  }
0x13b: {  	_ =	swait.ge [sflag:s0], $0x200  }
0x13c: {  	[sflag:s0] =	ssyncset.done $0x0  }
0x13d: {  	[sflag:s0] =	ssyncadd.s32 $0xFFFFFE00  }
0x13e: {  	_ =	swait.ge [sflag:s0], $0x200  }
0x13f: {  	[sflag:s0] =	ssyncset.done $0x0  }
0x140: {  	[sflag:s0] =	ssyncadd.s32 $0xFFFFFE00  }
0x141: {  	_ =	swait.ge [sflag:s0], $0x200  }
0x142: {  	[sflag:s0] =	ssyncset.done $0x0  }
0x143: {  	[sflag:s0] =	ssyncadd.s32 $0xFFFFFE00  }
0x144: {  	_ =	swait.ge [sflag:s0], $0x200  }
0x145: {  	[sflag:s0] =	ssyncset.done $0x0  }
0x146: {  	[sflag:s0] =	ssyncadd.s32 $0xFFFFFE00  }
0x147: {  	_ =	swait.ge [sflag:s0], $0x200  }
0x148: {  	[sflag:s0] =	ssyncset.done $0x0  }
0x149: {  	[sflag:s0] =	ssyncadd.s32 $0xFFFFFE00  }
0x14a: {  	_ =	swait.ge [sflag:s0], $0x200  }
0x14b: {  	[sflag:s0] =	ssyncset.done $0x0  }
0x14c: {  	[sflag:s0] =	ssyncadd.s32 $0xFFFFFE00  }
0x14d: {  	_ =	swait.ge [sflag:s0], $0x200  }
0x14e: {  	[sflag:s0] =	ssyncset.done $0x0  }
0x14f: {  	[sflag:s0] =	ssyncadd.s32 $0xFFFFFE00  }
0x150: {  	_ =	swait.ge [sflag:s0], $0x200  }
0x151: {  	[sflag:s0] =	ssyncset.done $0x0  }
0x152: {  	[sflag:s0] =	ssyncadd.s32 $0xFFFFFE00  }
0x153: {  	_ =	swait.ge [sflag:s0], $0x200  }
0x154: {  	[sflag:s0] =	ssyncset.done $0x0  }
0x155: {  	[sflag:s0] =	ssyncadd.s32 $0xFFFFFE00  }
0x156: {  	_ =	swait.ge [sflag:s0], $0x200  }
0x157: {  	[sflag:s0] =	ssyncset.done $0x0  }
0x158: {  	s31 =	simm.s32 $0x0;
	[sflag:s0] =	ssyncadd.s32 $0xFFFFFE00  }
0x159: {  	v6 =	vld [tilespmem:s31+$0x400];
	_ =	sdelay $0x1  }
0x15a: {  	s3 =	sadd.f32 s4, s3;
	v9 =	vld [tilespmem:s31+$0x1400]  }
0x15b: {  	v15 =	vbroadcast v16, $0xF  }
0x15c: {  	s3 =	sadd.f32 s3, s5;
	v22 =	vld [tilespmem:s31+$0x600]  }
0x15d: {  	v14 =	vbroadcast v0, $0xF;
	v0 =	vmul.f32 v6, v15  }
0x15e: {  	v16 =	vmov s3;
	v6 =	vld [tilespmem:s31+$0x1600]  }
0x15f: {  	v12 =	vbroadcast v5, $0xF;
	v5 =	vmul.f32 v9, v14;
	v0 =	vadd.f32 v0, v16  }
0x160: {  	v23 =	vld [tilespmem:s31+$0x800]  }
0x161: {  	v10 =	vbroadcast v1, $0xF;
	v1 =	vmul.f32 v22, v12;
	v0 =	vadd.f32 v5, v0  }
0x162: {  	v22 =	vld [tilespmem:s31+$0x1800]  }
0x163: {  	v9 =	vbroadcast v18, $0xF;
	v5 =	vmul.f32 v6, v10;
	v0 =	vadd.f32 v1, v0  }
0x164: {  	v1 =	vld [tilespmem:s31+$0xA00]  }
0x165: {  	v24 =	vld [tilespmem:s31+$0xE00];
	v6 =	vbroadcast v2, $0xF;
	v2 =	vmul.f32 v23, v9;
	v0 =	vadd.f32 v5, v0  }
0x166: {  	s28 =	simm.s32 $0x10;
	v23 =	vld [tilespmem:s31+$0x1A00]  }
0x167: {  	v5 =	vbroadcast v4, $0xF;
	v4 =	vmul.f32 v22, v6;
	v22 =	vld [tilespmem:s28+$0x400];
	v0 =	vadd.f32 v2, v0  }
0x168: {  	v18 =	vld [tilespmem:s31+$0xC00]  }
0x169: {  	v25 =	vld [tilespmem:s28+$0x1400];
	v2 =	vbroadcast v19, $0xF;
	v1 =	vmul.f32 v1, v5;
	v4 =	vadd.f32 v4, v0  }
0x16a: {  	v19 =	vld [tilespmem:s31+$0x1C00]  }
0x16b: {  	v0 =	vbroadcast v17, $0xF;
	v17 =	vld [tilespmem:s28+$0x600];
	v23 =	vmul.f32 v23, v2;
	v4 =	vadd.f32 v1, v4  }
0x16c: {  	v26 =	vld [tilespmem:s31+$0x1E00];
	v22 =	vmul.f32 v22, v15  }
0x16d: {  	v1 =	vbroadcast v20, $0xF;
	v18 =	vmul.f32 v18, v0;
	v20 =	vld [tilespmem:s28+$0x1600];
	v4 =	vadd.f32 v23, v4  }
0x16e: {  	v3 =	vbroadcast v3, $0xF;
	v27 =	vld [tilespmem:s31+$0x1000];
	v25 =	vmul.f32 v25, v14  }
0x16f: {  	v28 =	vld [tilespmem:s28+$0x800];
	v22 =	vadd.f32 v22, v16;
	v19 =	vmul.f32 v19, v1;
	v18 =	vadd.f32 v18, v4  }
0x170: {  	v23 =	vld [tilespmem:s31+$0x2000];
	v17 =	vmul.f32 v17, v12;
	v4 =	vbroadcast v21, $0xF  }
0x171: {  	v21 =	vmul.f32 v24, v3;
	v24 =	vld [tilespmem:s28+$0x1800];
	v18 =	vadd.f32 v19, v18;
	v19 =	vadd.f32 v25, v22  }
0x172: {  	v7 =	vbroadcast v7, $0xF;
	v20 =	vmul.f32 v20, v10;
	v22 =	vld [tilespmem:s31+$0x2200]  }
0x173: {  	v25 =	vmul.f32 v26, v4;
	v18 =	vadd.f32 v21, v18;
	v21 =	vld [tilespmem:s31+$0x1200];
	v17 =	vadd.f32 v17, v19  }
0x174: {  	v8 =	vbroadcast v8, $0xF;
	v26 =	vmul.f32 v27, v7;
	v19 =	vld [tilespmem:s28+$0xA00]  }
0x175: {  	v27 =	vld [tilespmem:s28+$0xC00];
	v18 =	vadd.f32 v25, v18;
	v17 =	vadd.f32 v20, v17;
	v20 =	vmul.f32 v28, v9  }
0x176: {  	s30 =	simm.s32 $0x20;
	v11 =	vbroadcast v11, $0xF;
	v23 =	vmul.f32 v23, v8;
	v25 =	vld [tilespmem:s28+$0x1A00]  }
0x177: {  	v24 =	vmul.f32 v24, v6;
	v28 =	vld [tilespmem:s30+$0x400];
	v18 =	vadd.f32 v26, v18;
	v17 =	vadd.f32 v20, v17  }
0x178: {  	v13 =	vbroadcast v13, $0xF;
	v20 =	vld [tilespmem:s28+$0xE00];
	v21 =	vmul.f32 v21, v11  }
0x179: {  	v19 =	vmul.f32 v19, v5;
	v18 =	vadd.f32 v23, v18;
	v17 =	vadd.f32 v24, v17;
	v23 =	vld [tilespmem:s30+$0x1400]  }
0x17a: {  	v22 =	vmul.f32 v22, v13;
	v26 =	vld [tilespmem:s28+$0x1C00]  }
0x17b: {  	v24 =	vld [tilespmem:s30+$0x600];
	v18 =	vadd.f32 v21, v18;
	v17 =	vadd.f32 v19, v17;
	v19 =	vmul.f32 v25, v2  }
0x17c: {  	v21 =	vld [tilespmem:s28+$0x1E00];
	v25 =	vmul.f32 v28, v15  }
0x17d: {  	v28 =	vld [tilespmem:s30+$0x1600];
	v18 =	vadd.f32 v22, v18;
	v22 =	vmul.f32 v27, v0;
	v17 =	vadd.f32 v19, v17  }
0x17e: {  	v19 =	vld [tilespmem:s28+$0x2000];
	v25 =	vadd.f32 v25, v16;
	v23 =	vmul.f32 v23, v14  }
0x17f: {  	v26 =	vmul.f32 v26, v1;
	v18 =	vsub.f32 v18, v18;
	v17 =	vadd.f32 v22, v17;
	v22 =	vld [tilespmem:s30+$0x800]  }
0x180: {  	v27 =	vld [tilespmem:s28+$0x1000];
	v24 =	vmul.f32 v24, v12;
	v23 =	vadd.f32 v23, v25  }
0x181: {  	v20 =	vmul.f32 v20, v3;
	v25 =	vld [tilespmem:s30+$0x1800];
	v18 =	vmul.f32 $1.442695020e+00, v18;
	v17 =	vadd.f32 v26, v17  }
0x182: {  	v28 =	vmul.f32 v28, v10;
	v26 =	vld [tilespmem:s28+$0x2200];
	v23 =	vadd.f32 v24, v23  }
0x183: {  	(erf) = vpow2.f32 v18;
	v18 =	vmul.f32 v21, v4;
	v17 =	vadd.f32 v20, v17;
	v20 =	vld [tilespmem:s30+$0xA00]  }
0x184: {  	v24 =	vld [tilespmem:s28+$0x1200];
	v21 =	vadd.f32 v28, v23;
	v22 =	vmul.f32 v22, v9  }
0x185: {  	v27 =	vmul.f32 v27, v7;
	v23 =	vld [tilespmem:s30+$0xC00];
	v17 =	vadd.f32 v18, v17  }
0x186: {  	s3 =	simm.s32 $0x30;
	v18 =	vld [tilespmem:s30+$0x1A00];
	v25 =	vmul.f32 v25, v6;
	v21 =	vadd.f32 v22, v21  }
0x187: {  	v19 =	vmul.f32 v19, v8;
	v28 =	vld [tilespmem:s3+$0x400];
	v17 =	vadd.f32 v27, v17  }
0x188: {  	v27 =	vld [tilespmem:s3+$0x600];
	v21 =	vadd.f32 v25, v21;
	v20 =	vmul.f32 v20, v5  }
0x189: {  	v24 =	vmul.f32 v24, v11;
	v25 =	vld [tilespmem:s30+$0x1C00];
	v17 =	vadd.f32 v19, v17  }
0x18a: {  	v19 =	vld [tilespmem:s3+$0x1400];
	v20 =	vadd.f32 v20, v21  }
0x18b: {  	v22 =	vld [tilespmem:s30+$0xE00];
	v18 =	vmul.f32 v18, v2;
	v21 =	vmul.f32 v26, v13;
	v17 =	vadd.f32 v24, v17  }
0x18c: {  	v29 =	vld [tilespmem:s3+$0x1600];
	v23 =	vmul.f32 v23, v0;
	v24 =	vmul.f32 v28, v15;
	v28 =	vpop (erf)  }
0x18d: {  	v26 =	vld [tilespmem:s30+$0x1E00];
	v18 =	vadd.f32 v18, v20;
	(erf) = vrcp.f32 v28;
	v17 =	vadd.f32 v21, v17  }
0x18e: {  	v20 =	vadd.f32 v24, v16;
	v24 =	vld [tilespmem:s30+$0x2000];
	v21 =	vmul.f32 v25, v1;
	v25 =	vmul.f32 v27, v12  }
0x18f: {  	v27 =	vld [tilespmem:s3+$0x800];
	v19 =	vmul.f32 v19, v14;
	v18 =	vadd.f32 v23, v18;
	v17 =	vsub.f32 v17, v17  }
0x190: {  	v22 =	vmul.f32 v22, v3;
	v23 =	vld [tilespmem:s30+$0x1000]  }
0x191: {  	v19 =	vadd.f32 v19, v20;
	v20 =	vld [tilespmem:s3+$0x1800];
	v18 =	vadd.f32 v21, v18;
	v21 =	vmul.f32 $1.442695020e+00, v17  }
0x192: {  	v29 =	vmul.f32 v29, v10;
	v26 =	vmul.f32 v26, v4;
	v17 =	vld [tilespmem:s30+$0x2200]  }
0x193: {  	v25 =	vadd.f32 v25, v19;
	v22 =	vadd.f32 v22, v18;
	v19 =	vld [tilespmem:s30+$0x1200];
	(erf) = vpow2.f32 v21  }
0x194: {  	v27 =	vmul.f32 v27, v9;
	v21 =	vld [tilespmem:s3+$0xA00]  }
0x195: {  	v18 =	vld [tilespmem:s3+$0xC00];
	v61 =	vmul.f32 v23, v7;
	v29 =	vadd.f32 v29, v25;
	v62 =	vadd.f32 v26, v22  }
0x196: {  	s4 =	simm.s32 $0x40;
	v22 =	vmul.f32 v24, v8;
	v25 =	vmul.f32 v20, v6;
	v20 =	vld [tilespmem:s3+$0x1A00];
	v63 =	vpop (erf)  }
0x197: {  	s5 =	simm.s32 $0x140;
	v23 =	vld [tilespmem:s4+$0x400];
	v26 =	vadd.f32 v27, v29;
	v24 =	vadd.f32 v61, v62;
	v27 =	vmul.f32 v63, v28  }
.LBB2_2:
0x198: {  	p0 =	sne.s32 s5, $0x7C0;
	v28 =	vld [tilespmem:s3+$0xE00];
	v19 =	vmul.f32 v19, v11  }
0x199: {  	v25 =	vadd.f32 v25, v26;
	v21 =	vmul.f32 v21, v5;
	v26 =	vld [tilespmem:s3+$0x1C00];
	v22 =	vadd.f32 v22, v24;
	[tilespmem:s31+$0x3500] =	vst v27;
	s31 =	smov.u32 s28;
	s28 =	smov.u32 s30;
	s30 =	smov.u32 s3  }
0x19a: {  	v17 =	vmul.f32 v17, v13;
	s3 =	smov.u32 s4;
	v24 =	vld [tilespmem:s4+$0x1400]  }
0x19b: {  	v27 =	vld [tilespmem:s3+$0x600];
	v21 =	vadd.f32 v21, v25;
	v20 =	vmul.f32 v20, v2;
	v19 =	vadd.f32 v19, v22  }
0x19c: {  	v18 =	vmul.f32 v18, v0;
	v22 =	vmul.f32 v23, v15;
	v23 =	vld [tilespmem:s30+$0x1E00];
	v29 =	vpop (erf)  }
0x19d: {  	v25 =	vld [tilespmem:s3+$0x1600];
	v20 =	vadd.f32 v20, v21;
	v17 =	vadd.f32 v17, v19;
	(erf) = vrcp.f32 v29  }
0x19e: {  	v19 =	vadd.f32 v22, v16;
	v21 =	vmul.f32 v26, v1;
	v22 =	vld [tilespmem:s30+$0x2000]  }
0x19f: {  	v24 =	vmul.f32 v24, v14;
	v18 =	vadd.f32 v18, v20;
	v20 =	vld [tilespmem:s30+$0x1000];
	v17 =	vsub.f32 v17, v17  }
0x1a0: {  	v28 =	vmul.f32 v28, v3;
	v26 =	vmul.f32 v27, v12;
	v27 =	vld [tilespmem:s3+$0x800]  }
0x1a1: {  	v19 =	vadd.f32 v24, v19;
	v24 =	vld [tilespmem:s3+$0x1800];
	v18 =	vadd.f32 v21, v18;
	v21 =	vmul.f32 $1.442695020e+00, v17  }
0x1a2: {  	v23 =	vmul.f32 v23, v4;
	v25 =	vmul.f32 v25, v10;
	v17 =	vld [tilespmem:s30+$0x2200]  }
.Ltmp0:
0x1a3: {  	v26 =	vadd.f32 v26, v19;
	v28 =	vadd.f32 v28, v18;
	v19 =	vld [tilespmem:s30+$0x1200];
	(erf) = vpow2.f32 v21;
	(pc) =	sbr.rel @p0 .LBB2_2-.Ltmp0, $4  }
0x1a4: {  	v21 =	vld [tilespmem:s3+$0xA00];
	v30 =	vmul.f32 v20, v7  }
0x1a5: {  	v26 =	vadd.f32 v25, v26;
	v27 =	vmul.f32 v27, v9;
	v18 =	vld [tilespmem:s3+$0xC00];
	v28 =	vadd.f32 v23, v28  }
0x1a6: {  	s4 =	sshra.s32 s5, $0x2;
	v22 =	vmul.f32 v22, v8;
	v25 =	vmul.f32 v24, v6;
	v20 =	vld [tilespmem:s3+$0x1A00];
	v31 =	vpop (erf)  }
0x1a7: {  	s5 =	sadd.s32 $0x40, s5;
	v23 =	vld [tilespmem:s4+$0x400];
	v26 =	vadd.f32 v27, v26;
	v24 =	vadd.f32 v30, v28;
	v27 =	vmul.f32 v31, v29  }
0x1a8: {  	v28 =	vld [tilespmem:s3+$0xE00]  }
0x1a9: {  	v29 =	vld [tilespmem:s3+$0x1C00];
	[tilespmem:s31+$0x3500] =	vst v27  }
0x1aa: {  	v27 =	vld [tilespmem:s4+$0x1400];
	_ =	sdelay $0x1  }
0x1ab: {  	v30 =	vld [tilespmem:s4+$0x600]  }
0x1ac: {  	v15 =	vmul.f32 v23, v15  }
0x1ad: {  	v51 =	vadd.f32 v25, v26;
	v21 =	vmul.f32 v21, v5;
	v52 =	vld [tilespmem:s4+$0x1600]  }
0x1ae: {  	v15 =	vadd.f32 v15, v16;
	v14 =	vmul.f32 v27, v14  }
0x1af: {  	v53 =	vmul.f32 v19, v11;
	v56 =	vld [tilespmem:s4+$0x800];
	v54 =	vadd.f32 v21, v51;
	v20 =	vmul.f32 v20, v2;
	v55 =	vpop (erf)  }
0x1b0: {  	(erf) = vrcp.f32 v55;
	v12 =	vmul.f32 v30, v12;
	v14 =	vadd.f32 v14, v15  }
0x1b1: {  	v57 =	vadd.f32 v22, v24;
	v18 =	vmul.f32 v18, v0;
	v58 =	vld [tilespmem:s4+$0x1800];
	v19 =	vadd.f32 v20, v54  }
0x1b2: {  	v17 =	vmul.f32 v17, v13;
	v59 =	vld [tilespmem:s3+$0x1E00];
	v10 =	vmul.f32 v52, v10;
	v12 =	vadd.f32 v12, v14  }
0x1b3: {  	v63 =	vld [tilespmem:s4+$0xA00];
	v60 =	vadd.f32 v53, v57;
	v61 =	vmul.f32 v29, v1;
	v62 =	vadd.f32 v18, v19  }
0x1b4: {  	v24 =	vld [tilespmem:s3+$0x1000];
	v9 =	vmul.f32 v56, v9;
	v10 =	vadd.f32 v10, v12  }
0x1b5: {  	v25 =	vadd.f32 v17, v60;
	v26 =	vmul.f32 v28, v3;
	v27 =	vld [tilespmem:s4+$0x1A00];
	v15 =	vadd.f32 v61, v62  }
0x1b6: {  	v28 =	vld [tilespmem:s3+$0x2000];
	v6 =	vmul.f32 v58, v6;
	v9 =	vadd.f32 v9, v10  }
0x1b7: {  	v31 =	vld [tilespmem:s4+$0xC00];
	v29 =	vsub.f32 v25, v25;
	v30 =	vmul.f32 v59, v4;
	v14 =	vadd.f32 v26, v15  }
0x1b8: {  	v32 =	vld [tilespmem:s3+$0x1200];
	v33 =	vmul.f32 v63, v5;
	v6 =	vadd.f32 v6, v9  }
0x1b9: {  	v37 =	vld [tilespmem:s4+$0x1C00];
	v35 =	vmul.f32 v24, v7;
	v34 =	vmul.f32 $1.442695020e+00, v29;
	v12 =	vadd.f32 v30, v14;
	v36 =	vpop (erf)  }
0x1ba: {  	v38 =	vld [tilespmem:s3+$0x2200];
	v39 =	vmul.f32 v27, v2;
	v14 =	vmul.f32 v36, v55;
	v5 =	vadd.f32 v33, v6  }
0x1bb: {  	v41 =	vld [tilespmem:s4+$0xE00];
	v40 =	vmul.f32 v28, v8;
	v10 =	vadd.f32 v35, v12  }
0x1bc: {  	v42 =	vmul.f32 v31, v0;
	(erf) = vpow2.f32 v34;
	[tilespmem:s28+$0x3500] =	vst v14;
	v2 =	vadd.f32 v39, v5  }
0x1bd: {  	v43 =	vmul.f32 v32, v11;
	v44 =	vld [tilespmem:s4+$0x1E00];
	v6 =	vadd.f32 v40, v10  }
0x1be: {  	v45 =	vmul.f32 v37, v1;
	v0 =	vadd.f32 v42, v2  }
0x1bf: {  	v46 =	vmul.f32 v38, v13;
	v47 =	vld [tilespmem:s4+$0x1000];
	v5 =	vadd.f32 v43, v6  }
0x1c0: {  	v48 =	vmul.f32 v41, v3;
	v0 =	vadd.f32 v45, v0  }
0x1c1: {  	v50 =	vld [tilespmem:s4+$0x2000];
	v49 =	vadd.f32 v46, v5  }
0x1c2: {  	v51 =	vmul.f32 v44, v4;
	v0 =	vadd.f32 v48, v0  }
0x1c3: {  	v52 =	vld [tilespmem:s4+$0x1200];
	v1 =	vsub.f32 v49, v49  }
0x1c4: {  	v53 =	vmul.f32 v47, v7;
	v0 =	vadd.f32 v51, v0  }
0x1c5: {  	v55 =	vld [tilespmem:s4+$0x2200];
	v54 =	vpop (erf);
	v1 =	vmul.f32 $1.442695020e+00, v1  }
0x1c6: {  	(erf) = vrcp.f32 v54;
	v2 =	vmul.f32 v50, v8;
	v0 =	vadd.f32 v53, v0  }
0x1c7: {  	(erf) = vpow2.f32 v1  }
0x1c8: {  	v56 =	vmul.f32 v52, v11;
	v0 =	vadd.f32 v2, v0;
	_ =	sdelay $0x1  }
0x1c9: {  	v57 =	vmul.f32 v55, v13;
	v0 =	vadd.f32 v56, v0;
	_ =	sdelay $0x1  }
0x1ca: {  	v0 =	vadd.f32 v57, v0;
	_ =	sdelay $0x1  }
0x1cb: {  	v0 =	vsub.f32 v0, v0  }
0x1cc: {  	v58 =	vpop (erf)  }
0x1cd: {  	v59 =	vpop (erf);
	v0 =	vmul.f32 $1.442695020e+00, v0  }
0x1ce: {  	(erf) = vrcp.f32 v59  }
0x1cf: {  	(erf) = vpow2.f32 v0;
	_ =	sdelay $0x7  }
0x1d0: {  	v60 =	vpop (erf)  }
0x1d1: {  	v61 =	vpop (erf)  }
0x1d2: {  	(erf) = vrcp.f32 v61;
	_ =	sdelay $0x7  }
0x1d3: {  	v1 =	vmul.f32 v58, v54  }
0x1d4: {  	v0 =	vmul.f32 v60, v59;
	v62 =	vpop (erf)  }
0x1d5: {  	s26 =	sadd.s32 $0x1, s26;
	[tilespmem:s30+$0x3500] =	vst v1;
	v63 =	vmul.f32 v62, v61  }
0x1d6: {  	p0 =	sne.s32 s26, s24;
	[tilespmem:s3+$0x3500] =	vst v0  }
.Ltmp1:
0x1d7: {  	s31 =	simm.s32 $0x3500;
	[tilespmem:s4+$0x3500] =	vst v63;
	(pc) =	sbr.rel @p0 .LBB2_1-.Ltmp1, $4  }
0x1d8: {  	[hbm4b:s23+s2] =	stream.linear.scatter [tilespmem:s31], [sflag:$0x3], $0x200, $0x38;
	[tilespmem:$0x3700] =	vst v63  }
0x1d9: {  	_ =	swait.ge [sflag:s1], $0x200  }
0x1da: {  	[sflag:s1] =	ssyncset.done $0x0  }
0x1db: {  	[sflag:s1] =	ssyncadd.s32 $0xFFFFFE00  }
0x1dc: {  	_ =	sfence.sel $0x180000  }
0x1dd: {  	[bflag:$0x0] =	sbarrier.arrive $0xFFFF  }
0x1de: {  	_ =	strace $0x90000047  }
0x1df: {  	s0 =	stileid.u32;
	[bflag:$0x2] =	sbarrier.arrive $0xFFFF  }
0x1e0: {  	p0 =	sne.s32 s0, $0x0;
	s0 =	rddreg [dreg:$0x5]  }
0x1e1: {  	s0 =	sadd.s32 @!p0 $0x100000, s0  }
0x1e2: {  	[sflag:s0] =	ssyncadd.tile.s32 @!p0 $0x1;
	_ =	shalt  }
.Lfunc_end2:
_tile_overlayer_lowered:
.L_overlay_start_2:
0x1e3: {  	(tag) =	ssettag $0x2  }
0x1e4: {  	s0 =	rddreg [dreg:$0x0];
	s2 =	stileid.u32  }
0x1e5: {  	s1 =	rddreg [dreg:$0x1];
	p0 =	sne.s32 s2, $0x0  }
0x1e6: {  	s3 =	rddreg [dreg:$0x2];
	[bflag:$0x3] =	sbarrier.arrive $0xFFFF;
	s2 =	simm.s32 @!p0 $0x1C03  }
0x1e7: {  	[timem:s3], [sflag:s2] =	dma.local @!p0 [hbm:s0], s1  }
0x1e8: {  	s0 =	simm.s32 @!p0 $0x3  }
0x1e9: {  	_ =	swait.ge @!p0 [sflag:s0], s1  }
0x1ea: {  	s1 =	ssub.s32 @!p0 $0x0, s1;
	[sflag:s0] =	ssyncset.done @!p0 $0x0  }
0x1eb: {  	[sflag:s0] =	ssyncadd.s32 @!p0 s1  }
0x1ec: {  	[bflag:$0x3] =	sbarrier.arrive $0xFFFF  }
0x1ed: {  	_ =	shalt  }

</sc_bundles>
